<compile_context>
chip_gen: v7x
topology: tpu7x:2x2x1
jax: 0.10.2.dev20260603
libtpu: 0.0.44.dev20260713+nightly
codegen_flags: <defaults>
</compile_context>

<pallas_src>
import functools

import numpy as np
import jax
import jax.numpy as jnp
from jax import lax
from jax.experimental import pallas as pl
from jax.experimental.pallas import tpu as pltpu
from jax.experimental.pallas import tpu_sc as plsc

NUM_EMBEDDINGS = 1000000
EMBED_DIM = 64
LANE = 128
BATCH = 16384
N_FIELDS = 26
F_PAD = 32
TOTAL = BATCH * N_FIELDS

NUM_CORES = 2
NUM_SUBCORES = 16
NUM_WORKERS = NUM_CORES * NUM_SUBCORES

PER_WORKER = TOTAL // NUM_WORKERS
CHUNK = 128
N_CHUNKS = PER_WORKER // CHUNK
NBUF = 4

assert PER_WORKER * NUM_WORKERS == TOTAL
assert N_CHUNKS * CHUNK == PER_WORKER
assert N_CHUNKS % NBUF == 0

_P = np.arange(TOTAL, dtype=np.int64)
_DEST_ROWS = (F_PAD * (_P // N_FIELDS) + (_P % N_FIELDS)).astype(np.int32)
_DEST3 = _DEST_ROWS.reshape(NUM_WORKERS, N_CHUNKS, CHUNK)


def _gather_body(idx_hbm, dest_hbm, table_hbm, out_hbm,
                 idx_v, dest_v, rows, sg, ss):
    wid = lax.axis_index("s") * NUM_CORES + lax.axis_index("c")

    pltpu.sync_copy(idx_hbm.at[wid], idx_v)
    pltpu.sync_copy(dest_hbm.at[wid], dest_v)

    def start_gather(i, b):
        pltpu.async_copy(table_hbm.at[idx_v.at[i]], rows[b].at[0], sg[b])

    def wait_gather(i, b):
        pltpu.make_async_copy(table_hbm.at[idx_v.at[i]], rows[b].at[0],
                              sg[b]).wait()

    def start_scatter(i, b):
        pltpu.async_copy(rows[b].at[0], out_hbm.at[dest_v.at[i]], ss[b])

    def wait_scatter(i, b):
        pltpu.make_async_copy(rows[b].at[0], out_hbm.at[dest_v.at[i]],
                              ss[b]).wait()

    for b in range(NBUF):
        start_gather(b, b)

    def step(g, carry):
        i0 = g * NBUF
        for b in range(NBUF):
            wait_gather(i0 + b, b)
            start_scatter(i0 + b, b)
        for b in range(NBUF):
            wait_scatter(i0 + b, b)
            start_gather(i0 + NBUF + b, b)
        return carry

    lax.fori_loop(0, N_CHUNKS // NBUF - 1, step, 0)

    i0 = N_CHUNKS - NBUF
    for b in range(NBUF):
        wait_gather(i0 + b, b)
        start_scatter(i0 + b, b)
    for b in range(NBUF):
        wait_scatter(i0 + b, b)


_gather_call = functools.partial(
    pl.kernel,
    mesh=plsc.VectorSubcoreMesh(core_axis_name="c", subcore_axis_name="s"),
    out_type=jax.ShapeDtypeStruct((BATCH * F_PAD, LANE), jnp.float32),
    scratch_types=[
        pltpu.VMEM((N_CHUNKS, CHUNK), jnp.int32),
        pltpu.VMEM((N_CHUNKS, CHUNK), jnp.int32),
    ] + [pltpu.VMEM((1, CHUNK, LANE), jnp.float32) for _ in range(NBUF)]
      + [pltpu.SemaphoreType.DMA for _ in range(2 * NBUF)],
    compiler_params=pltpu.CompilerParams(use_tc_tiling_on_sc=True),
)


def _body_wrap(idx_hbm, dest_hbm, table_hbm, out_hbm, *scratch):
    idx_v, dest_v = scratch[0], scratch[1]
    rows = scratch[2:2 + NBUF]
    sg = scratch[2 + NBUF:2 + 2 * NBUF]
    ss = scratch[2 + 2 * NBUF:]
    _gather_body(idx_hbm, dest_hbm, table_hbm, out_hbm,
                 idx_v, dest_v, rows, sg, ss)


@jax.jit
def kernel(indices, W):
    flat = indices.reshape(-1).astype(jnp.int32)
    idx3 = flat.reshape(NUM_WORKERS, N_CHUNKS, CHUNK)
    dest3 = jnp.asarray(_DEST3)
    W_pad = jnp.pad(W, ((0, 0), (0, LANE - EMBED_DIM)))
    out = _gather_call(_body_wrap)(idx3, dest3, W_pad)
    out4 = out.reshape(BATCH, F_PAD, LANE)
    return out4[:, :N_FIELDS, :EMBED_DIM]

# --- scband reference (transcript-rebuilt; emitter-appended) ---
"""Pipeline reference for scband-sparse-embedding-73985106641453 (READ-ONLY COPY).

The authoritative reference and input builder live on the scoring server;
editing this copy changes nothing except your own understanding.
"""

import jax, jax.numpy as jnp
import numpy as np

NUM_EMBEDDINGS = 1000000
EMBEDDING_DIM = 64
BATCH = 16384
N_FIELDS = 26


def setup_inputs(seed: int = 0) -> dict:
    key = jax.random.key(seed)
    k_idx, k_w = jax.random.split(key)
    indices = jax.random.randint(k_idx, (BATCH, N_FIELDS), 0, NUM_EMBEDDINGS)
    # learned parameter: embedding table, init normal(std=0.01)
    W = jax.random.normal(k_w, (NUM_EMBEDDINGS, EMBEDDING_DIM), dtype=jnp.float32) * 0.01
    return {"indices": indices, "W": W}


def reference(indices, W):
    # SparseEmbedding.forward: flatten indices, gather rows, cast to output dtype,
    # reshape to indices.shape + (embedding_dim,)
    flat = indices.reshape(-1)
    out = jnp.take(W, flat, axis=0).astype(jnp.float32)
    return out.reshape(indices.shape + (EMBEDDING_DIM,))

if __name__ == "__main__":
    import jax
    _d = setup_inputs()
    print(jax.jit(kernel)(*tuple(_d.values())))

</pallas_src>

<mosaic_0001>
#map = affine_map<(d0, d1) -> (0, 0, 0)>
#map1 = affine_map<(d0, d1) -> (0, 0)>
module attributes {stable_mosaic.version = 14 : i64} {
  func.func @_body_wrap(%arg0: i32, %arg1: i32, %arg2: memref<32x104x128xi32, #tpu.memory_space<hbm>>, %arg3: memref<32x104x128xi32, #tpu.memory_space<hbm>>, %arg4: memref<1000000x128xf32, #tpu.memory_space<hbm>>, %arg5: memref<524288x128xf32, #tpu.memory_space<hbm>>, %arg6: memref<104x128xi32, #tpu.memory_space<vmem>>, %arg7: memref<104x128xi32, #tpu.memory_space<vmem>>, %arg8: memref<1x128x128xf32, #tpu.memory_space<vmem>>, %arg9: memref<1x128x128xf32, #tpu.memory_space<vmem>>, %arg10: memref<1x128x128xf32, #tpu.memory_space<vmem>>, %arg11: memref<1x128x128xf32, #tpu.memory_space<vmem>>, %arg12: memref<!tpu.dma_semaphore, #tpu.memory_space<semaphore_mem>>, %arg13: memref<!tpu.dma_semaphore, #tpu.memory_space<semaphore_mem>>, %arg14: memref<!tpu.dma_semaphore, #tpu.memory_space<semaphore_mem>>, %arg15: memref<!tpu.dma_semaphore, #tpu.memory_space<semaphore_mem>>, %arg16: memref<!tpu.dma_semaphore, #tpu.memory_space<semaphore_mem>>, %arg17: memref<!tpu.dma_semaphore, #tpu.memory_space<semaphore_mem>>, %arg18: memref<!tpu.dma_semaphore, #tpu.memory_space<semaphore_mem>>, %arg19: memref<!tpu.dma_semaphore, #tpu.memory_space<semaphore_mem>>) attributes {dimension_semantics = [#tpu.dimension_semantics<core_parallel>, #tpu.dimension_semantics<subcore_parallel>], iteration_bounds = array<i64: 2, 16>, scalar_prefetch = 0 : i64, scratch_operands = 14 : i64, tpu.core_type = #tpu.core_type<sc_vector_subcore>, window_params = [{transform_indices = #map}, {transform_indices = #map}, {transform_indices = #map1}, {transform_indices = #map1}]} {
    %mul3A = arith.constant 2 : i32
    %mul3A_0 = arith.muli %arg1, %mul3A : i32
    %add3A = arith.addi %mul3A_0, %arg0 : i32
    "tpu.region"() ({
      %run_scoped3A = tpu.sem_alloc : memref<!tpu.dma_semaphore, #tpu.memory_space<semaphore_mem>>
      %dma_start3A_196 = arith.constant 0 : i32
      %dma_start3A_197 = arith.constant 0 : i32
      %dma_start3A_198 = tpu.memref_slice %arg2[%add3A, %dma_start3A_196, %dma_start3A_197] : memref<32x104x128xi32, #tpu.memory_space<hbm>> -> memref<1x104x128xi32, #tpu.memory_space<hbm>>
      %dma_start3A_199 = tpu.memref_squeeze %dma_start3A_198 : memref<1x104x128xi32, #tpu.memory_space<hbm>> -> memref<104x128xi32, #tpu.memory_space<hbm>>
      %dma_start3A_200 = arith.constant 0 : i32
      %dma_start3A_201 = arith.constant 0 : i32
      %dma_start3A_202 = tpu.memref_slice %arg2[%add3A, %dma_start3A_200, %dma_start3A_201] : memref<32x104x128xi32, #tpu.memory_space<hbm>> -> memref<1x104x128xi32, #tpu.memory_space<hbm>>
      %dma_start3A_203 = tpu.memref_squeeze %dma_start3A_202 : memref<1x104x128xi32, #tpu.memory_space<hbm>> -> memref<104x128xi32, #tpu.memory_space<hbm>>
      tpu.enqueue_dma source(%dma_start3A_203 : memref<104x128xi32, #tpu.memory_space<hbm>>) target(%arg6 : memref<104x128xi32, #tpu.memory_space<vmem>>) target_semaphore(%run_scoped3A : memref<!tpu.dma_semaphore, #tpu.memory_space<semaphore_mem>>)
      %dma_wait3A_204 = arith.constant 0 : i32
      %dma_wait3A_205 = arith.constant 0 : i32
      %dma_wait3A_206 = tpu.memref_slice %arg2[%add3A, %dma_wait3A_204, %dma_wait3A_205] : memref<32x104x128xi32, #tpu.memory_space<hbm>> -> memref<1x104x128xi32, #tpu.memory_space<hbm>>
      %dma_wait3A_207 = tpu.memref_squeeze %dma_wait3A_206 : memref<1x104x128xi32, #tpu.memory_space<hbm>> -> memref<104x128xi32, #tpu.memory_space<hbm>>
      %dma_wait3A_208 = arith.constant 0 : i32
      %dma_wait3A_209 = arith.constant 0 : i32
      %dma_wait3A_210 = tpu.memref_slice %arg2[%add3A, %dma_wait3A_208, %dma_wait3A_209] : memref<32x104x128xi32, #tpu.memory_space<hbm>> -> memref<1x104x128xi32, #tpu.memory_space<hbm>>
      %dma_wait3A_211 = tpu.memref_squeeze %dma_wait3A_210 : memref<1x104x128xi32, #tpu.memory_space<hbm>> -> memref<104x128xi32, #tpu.memory_space<hbm>>
      tpu.wait_dma2 semaphore(%run_scoped3A : memref<!tpu.dma_semaphore, #tpu.memory_space<semaphore_mem>>) src(%dma_wait3A_211 : memref<104x128xi32, #tpu.memory_space<hbm>>) dst(%arg6 : memref<104x128xi32, #tpu.memory_space<vmem>>)
      tpu.yield
    }) : () -> ()
    "tpu.region"() ({
      %run_scoped3A = tpu.sem_alloc : memref<!tpu.dma_semaphore, #tpu.memory_space<semaphore_mem>>
      %dma_start3A_196 = arith.constant 0 : i32
      %dma_start3A_197 = arith.constant 0 : i32
      %dma_start3A_198 = tpu.memref_slice %arg3[%add3A, %dma_start3A_196, %dma_start3A_197] : memref<32x104x128xi32, #tpu.memory_space<hbm>> -> memref<1x104x128xi32, #tpu.memory_space<hbm>>
      %dma_start3A_199 = tpu.memref_squeeze %dma_start3A_198 : memref<1x104x128xi32, #tpu.memory_space<hbm>> -> memref<104x128xi32, #tpu.memory_space<hbm>>
      %dma_start3A_200 = arith.constant 0 : i32
      %dma_start3A_201 = arith.constant 0 : i32
      %dma_start3A_202 = tpu.memref_slice %arg3[%add3A, %dma_start3A_200, %dma_start3A_201] : memref<32x104x128xi32, #tpu.memory_space<hbm>> -> memref<1x104x128xi32, #tpu.memory_space<hbm>>
      %dma_start3A_203 = tpu.memref_squeeze %dma_start3A_202 : memref<1x104x128xi32, #tpu.memory_space<hbm>> -> memref<104x128xi32, #tpu.memory_space<hbm>>
      tpu.enqueue_dma source(%dma_start3A_203 : memref<104x128xi32, #tpu.memory_space<hbm>>) target(%arg7 : memref<104x128xi32, #tpu.memory_space<vmem>>) target_semaphore(%run_scoped3A : memref<!tpu.dma_semaphore, #tpu.memory_space<semaphore_mem>>)
      %dma_wait3A_204 = arith.constant 0 : i32
      %dma_wait3A_205 = arith.constant 0 : i32
      %dma_wait3A_206 = tpu.memref_slice %arg3[%add3A, %dma_wait3A_204, %dma_wait3A_205] : memref<32x104x128xi32, #tpu.memory_space<hbm>> -> memref<1x104x128xi32, #tpu.memory_space<hbm>>
      %dma_wait3A_207 = tpu.memref_squeeze %dma_wait3A_206 : memref<1x104x128xi32, #tpu.memory_space<hbm>> -> memref<104x128xi32, #tpu.memory_space<hbm>>
      %dma_wait3A_208 = arith.constant 0 : i32
      %dma_wait3A_209 = arith.constant 0 : i32
      %dma_wait3A_210 = tpu.memref_slice %arg3[%add3A, %dma_wait3A_208, %dma_wait3A_209] : memref<32x104x128xi32, #tpu.memory_space<hbm>> -> memref<1x104x128xi32, #tpu.memory_space<hbm>>
      %dma_wait3A_211 = tpu.memref_squeeze %dma_wait3A_210 : memref<1x104x128xi32, #tpu.memory_space<hbm>> -> memref<104x128xi32, #tpu.memory_space<hbm>>
      tpu.wait_dma2 semaphore(%run_scoped3A : memref<!tpu.dma_semaphore, #tpu.memory_space<semaphore_mem>>) src(%dma_wait3A_211 : memref<104x128xi32, #tpu.memory_space<hbm>>) dst(%arg7 : memref<104x128xi32, #tpu.memory_space<vmem>>)
      tpu.yield
    }) : () -> ()
    %dma_start3A = arith.constant 0 : i32
    %dma_start3A_1 = arith.constant 0 : i32
    %dma_start3A_2 = arith.constant 0 : i32
    %dma_start3A_3 = arith.constant 0 : i32
    %dma_start3A_4 = tpu.memref_slice %arg8[%dma_start3A_1, %dma_start3A_2, %dma_start3A_3] : memref<1x128x128xf32, #tpu.memory_space<vmem>> -> memref<1x128x128xf32, #tpu.memory_space<vmem>>
    %dma_start3A_5 = tpu.memref_squeeze %dma_start3A_4 : memref<1x128x128xf32, #tpu.memory_space<vmem>> -> memref<128x128xf32, #tpu.memory_space<vmem>>
    %dma_start3A_6 = arith.constant 0 : i32
    %dma_start3A_7 = tpu.memref_slice %arg6[%dma_start3A, %dma_start3A_6] : memref<104x128xi32, #tpu.memory_space<vmem>> -> memref<1x128xi32, #tpu.memory_space<vmem>>
    %dma_start3A_8 = tpu.memref_squeeze %dma_start3A_7 : memref<1x128xi32, #tpu.memory_space<vmem>> -> memref<128xi32, #tpu.memory_space<vmem>>
    %dma_start3A_9 = arith.constant 0 : i32
    %dma_start3A_10 = arith.constant 0 : i32
    %dma_start3A_11 = tpu.memref_slice %arg4[%dma_start3A_9, %dma_start3A_10] : memref<1000000x128xf32, #tpu.memory_space<hbm>> -> memref<1000000x128xf32, #tpu.memory_space<hbm>>
    tpu.enqueue_indirect_dma source(%dma_start3A_11 : memref<1000000x128xf32, #tpu.memory_space<hbm>>) target(%dma_start3A_5 : memref<128x128xf32, #tpu.memory_space<vmem>>) offsets(%dma_start3A_8 : memref<128xi32, #tpu.memory_space<vmem>>) semaphore(%arg12 : memref<!tpu.dma_semaphore, #tpu.memory_space<semaphore_mem>>)
    %dma_start3A_12 = arith.constant 1 : i32
    %dma_start3A_13 = arith.constant 0 : i32
    %dma_start3A_14 = arith.constant 0 : i32
    %dma_start3A_15 = arith.constant 0 : i32
    %dma_start3A_16 = tpu.memref_slice %arg9[%dma_start3A_13, %dma_start3A_14, %dma_start3A_15] : memref<1x128x128xf32, #tpu.memory_space<vmem>> -> memref<1x128x128xf32, #tpu.memory_space<vmem>>
    %dma_start3A_17 = tpu.memref_squeeze %dma_start3A_16 : memref<1x128x128xf32, #tpu.memory_space<vmem>> -> memref<128x128xf32, #tpu.memory_space<vmem>>
    %dma_start3A_18 = arith.constant 0 : i32
    %dma_start3A_19 = tpu.memref_slice %arg6[%dma_start3A_12, %dma_start3A_18] : memref<104x128xi32, #tpu.memory_space<vmem>> -> memref<1x128xi32, #tpu.memory_space<vmem>>
    %dma_start3A_20 = tpu.memref_squeeze %dma_start3A_19 : memref<1x128xi32, #tpu.memory_space<vmem>> -> memref<128xi32, #tpu.memory_space<vmem>>
    %dma_start3A_21 = arith.constant 0 : i32
    %dma_start3A_22 = arith.constant 0 : i32
    %dma_start3A_23 = tpu.memref_slice %arg4[%dma_start3A_21, %dma_start3A_22] : memref<1000000x128xf32, #tpu.memory_space<hbm>> -> memref<1000000x128xf32, #tpu.memory_space<hbm>>
    tpu.enqueue_indirect_dma source(%dma_start3A_23 : memref<1000000x128xf32, #tpu.memory_space<hbm>>) target(%dma_start3A_17 : memref<128x128xf32, #tpu.memory_space<vmem>>) offsets(%dma_start3A_20 : memref<128xi32, #tpu.memory_space<vmem>>) semaphore(%arg13 : memref<!tpu.dma_semaphore, #tpu.memory_space<semaphore_mem>>)
    %dma_start3A_24 = arith.constant 2 : i32
    %dma_start3A_25 = arith.constant 0 : i32
    %dma_start3A_26 = arith.constant 0 : i32
    %dma_start3A_27 = arith.constant 0 : i32
    %dma_start3A_28 = tpu.memref_slice %arg10[%dma_start3A_25, %dma_start3A_26, %dma_start3A_27] : memref<1x128x128xf32, #tpu.memory_space<vmem>> -> memref<1x128x128xf32, #tpu.memory_space<vmem>>
    %dma_start3A_29 = tpu.memref_squeeze %dma_start3A_28 : memref<1x128x128xf32, #tpu.memory_space<vmem>> -> memref<128x128xf32, #tpu.memory_space<vmem>>
    %dma_start3A_30 = arith.constant 0 : i32
    %dma_start3A_31 = tpu.memref_slice %arg6[%dma_start3A_24, %dma_start3A_30] : memref<104x128xi32, #tpu.memory_space<vmem>> -> memref<1x128xi32, #tpu.memory_space<vmem>>
    %dma_start3A_32 = tpu.memref_squeeze %dma_start3A_31 : memref<1x128xi32, #tpu.memory_space<vmem>> -> memref<128xi32, #tpu.memory_space<vmem>>
    %dma_start3A_33 = arith.constant 0 : i32
    %dma_start3A_34 = arith.constant 0 : i32
    %dma_start3A_35 = tpu.memref_slice %arg4[%dma_start3A_33, %dma_start3A_34] : memref<1000000x128xf32, #tpu.memory_space<hbm>> -> memref<1000000x128xf32, #tpu.memory_space<hbm>>
    tpu.enqueue_indirect_dma source(%dma_start3A_35 : memref<1000000x128xf32, #tpu.memory_space<hbm>>) target(%dma_start3A_29 : memref<128x128xf32, #tpu.memory_space<vmem>>) offsets(%dma_start3A_32 : memref<128xi32, #tpu.memory_space<vmem>>) semaphore(%arg14 : memref<!tpu.dma_semaphore, #tpu.memory_space<semaphore_mem>>)
    %dma_start3A_36 = arith.constant 3 : i32
    %dma_start3A_37 = arith.constant 0 : i32
    %dma_start3A_38 = arith.constant 0 : i32
    %dma_start3A_39 = arith.constant 0 : i32
    %dma_start3A_40 = tpu.memref_slice %arg11[%dma_start3A_37, %dma_start3A_38, %dma_start3A_39] : memref<1x128x128xf32, #tpu.memory_space<vmem>> -> memref<1x128x128xf32, #tpu.memory_space<vmem>>
    %dma_start3A_41 = tpu.memref_squeeze %dma_start3A_40 : memref<1x128x128xf32, #tpu.memory_space<vmem>> -> memref<128x128xf32, #tpu.memory_space<vmem>>
    %dma_start3A_42 = arith.constant 0 : i32
    %dma_start3A_43 = tpu.memref_slice %arg6[%dma_start3A_36, %dma_start3A_42] : memref<104x128xi32, #tpu.memory_space<vmem>> -> memref<1x128xi32, #tpu.memory_space<vmem>>
    %dma_start3A_44 = tpu.memref_squeeze %dma_start3A_43 : memref<1x128xi32, #tpu.memory_space<vmem>> -> memref<128xi32, #tpu.memory_space<vmem>>
    %dma_start3A_45 = arith.constant 0 : i32
    %dma_start3A_46 = arith.constant 0 : i32
    %dma_start3A_47 = tpu.memref_slice %arg4[%dma_start3A_45, %dma_start3A_46] : memref<1000000x128xf32, #tpu.memory_space<hbm>> -> memref<1000000x128xf32, #tpu.memory_space<hbm>>
    tpu.enqueue_indirect_dma source(%dma_start3A_47 : memref<1000000x128xf32, #tpu.memory_space<hbm>>) target(%dma_start3A_41 : memref<128x128xf32, #tpu.memory_space<vmem>>) offsets(%dma_start3A_44 : memref<128xi32, #tpu.memory_space<vmem>>) semaphore(%arg15 : memref<!tpu.dma_semaphore, #tpu.memory_space<semaphore_mem>>)
    %scan3A = arith.constant 0 : i32
    %scan3A_48 = arith.constant 0 : i32
    %scan3A_49 = arith.constant 25 : i32
    %scan3A_50 = arith.addi %scan3A_48, %scan3A_49 : i32
    %scan3A_51 = arith.constant 1 : i32
    scf.for %scan3A_196 = %scan3A_48 to %scan3A_50 step %scan3A_51  : i32 {
      %mul3A_197 = arith.constant 4 : i32
      %mul3A_198 = arith.muli %scan3A_196, %mul3A_197 : i32
      %add3A_199 = arith.constant 0 : i32
      %add3A_200 = arith.addi %mul3A_198, %add3A_199 : i32
      %dma_wait3A_201 = arith.constant 0 : i32
      %dma_wait3A_202 = arith.constant 0 : i32
      %dma_wait3A_203 = arith.constant 0 : i32
      %dma_wait3A_204 = tpu.memref_slice %arg8[%dma_wait3A_201, %dma_wait3A_202, %dma_wait3A_203] : memref<1x128x128xf32, #tpu.memory_space<vmem>> -> memref<1x128x128xf32, #tpu.memory_space<vmem>>
      %dma_wait3A_205 = tpu.memref_squeeze %dma_wait3A_204 : memref<1x128x128xf32, #tpu.memory_space<vmem>> -> memref<128x128xf32, #tpu.memory_space<vmem>>
      %dma_wait3A_206 = arith.constant 0 : i32
      %dma_wait3A_207 = tpu.memref_slice %arg6[%add3A_200, %dma_wait3A_206] : memref<104x128xi32, #tpu.memory_space<vmem>> -> memref<1x128xi32, #tpu.memory_space<vmem>>
      %dma_wait3A_208 = tpu.memref_squeeze %dma_wait3A_207 : memref<1x128xi32, #tpu.memory_space<vmem>> -> memref<128xi32, #tpu.memory_space<vmem>>
      %dma_wait3A_209 = arith.constant 0 : i32
      %dma_wait3A_210 = arith.constant 0 : i32
      %dma_wait3A_211 = tpu.memref_slice %arg4[%dma_wait3A_209, %dma_wait3A_210] : memref<1000000x128xf32, #tpu.memory_space<hbm>> -> memref<1000000x128xf32, #tpu.memory_space<hbm>>
      tpu.wait_indirect_dma semaphore(%arg12 : memref<!tpu.dma_semaphore, #tpu.memory_space<semaphore_mem>>) src(%dma_wait3A_211 : memref<1000000x128xf32, #tpu.memory_space<hbm>>) dst(%dma_wait3A_205 : memref<128x128xf32, #tpu.memory_space<vmem>>)
      %add3A_212 = arith.constant 0 : i32
      %add3A_213 = arith.addi %mul3A_198, %add3A_212 : i32
      %dma_start3A_214 = arith.constant 0 : i32
      %dma_start3A_215 = arith.constant 0 : i32
      %dma_start3A_216 = arith.constant 0 : i32
      %dma_start3A_217 = tpu.memref_slice %arg8[%dma_start3A_214, %dma_start3A_215, %dma_start3A_216] : memref<1x128x128xf32, #tpu.memory_space<vmem>> -> memref<1x128x128xf32, #tpu.memory_space<vmem>>
      %dma_start3A_218 = tpu.memref_squeeze %dma_start3A_217 : memref<1x128x128xf32, #tpu.memory_space<vmem>> -> memref<128x128xf32, #tpu.memory_space<vmem>>
      %dma_start3A_219 = arith.constant 0 : i32
      %dma_start3A_220 = tpu.memref_slice %arg7[%add3A_213, %dma_start3A_219] : memref<104x128xi32, #tpu.memory_space<vmem>> -> memref<1x128xi32, #tpu.memory_space<vmem>>
      %dma_start3A_221 = tpu.memref_squeeze %dma_start3A_220 : memref<1x128xi32, #tpu.memory_space<vmem>> -> memref<128xi32, #tpu.memory_space<vmem>>
      %dma_start3A_222 = arith.constant 0 : i32
      %dma_start3A_223 = arith.constant 0 : i32
      %dma_start3A_224 = tpu.memref_slice %arg5[%dma_start3A_222, %dma_start3A_223] : memref<524288x128xf32, #tpu.memory_space<hbm>> -> memref<524288x128xf32, #tpu.memory_space<hbm>>
      tpu.enqueue_indirect_dma source(%dma_start3A_218 : memref<128x128xf32, #tpu.memory_space<vmem>>) target(%dma_start3A_224 : memref<524288x128xf32, #tpu.memory_space<hbm>>) offsets(%dma_start3A_221 : memref<128xi32, #tpu.memory_space<vmem>>) semaphore(%arg16 : memref<!tpu.dma_semaphore, #tpu.memory_space<semaphore_mem>>)
      %add3A_225 = arith.constant 1 : i32
      %add3A_226 = arith.addi %mul3A_198, %add3A_225 : i32
      %dma_wait3A_227 = arith.constant 0 : i32
      %dma_wait3A_228 = arith.constant 0 : i32
      %dma_wait3A_229 = arith.constant 0 : i32
      %dma_wait3A_230 = tpu.memref_slice %arg9[%dma_wait3A_227, %dma_wait3A_228, %dma_wait3A_229] : memref<1x128x128xf32, #tpu.memory_space<vmem>> -> memref<1x128x128xf32, #tpu.memory_space<vmem>>
      %dma_wait3A_231 = tpu.memref_squeeze %dma_wait3A_230 : memref<1x128x128xf32, #tpu.memory_space<vmem>> -> memref<128x128xf32, #tpu.memory_space<vmem>>
      %dma_wait3A_232 = arith.constant 0 : i32
      %dma_wait3A_233 = tpu.memref_slice %arg6[%add3A_226, %dma_wait3A_232] : memref<104x128xi32, #tpu.memory_space<vmem>> -> memref<1x128xi32, #tpu.memory_space<vmem>>
      %dma_wait3A_234 = tpu.memref_squeeze %dma_wait3A_233 : memref<1x128xi32, #tpu.memory_space<vmem>> -> memref<128xi32, #tpu.memory_space<vmem>>
      %dma_wait3A_235 = arith.constant 0 : i32
      %dma_wait3A_236 = arith.constant 0 : i32
      %dma_wait3A_237 = tpu.memref_slice %arg4[%dma_wait3A_235, %dma_wait3A_236] : memref<1000000x128xf32, #tpu.memory_space<hbm>> -> memref<1000000x128xf32, #tpu.memory_space<hbm>>
      tpu.wait_indirect_dma semaphore(%arg13 : memref<!tpu.dma_semaphore, #tpu.memory_space<semaphore_mem>>) src(%dma_wait3A_237 : memref<1000000x128xf32, #tpu.memory_space<hbm>>) dst(%dma_wait3A_231 : memref<128x128xf32, #tpu.memory_space<vmem>>)
      %add3A_238 = arith.constant 1 : i32
      %add3A_239 = arith.addi %mul3A_198, %add3A_238 : i32
      %dma_start3A_240 = arith.constant 0 : i32
      %dma_start3A_241 = arith.constant 0 : i32
      %dma_start3A_242 = arith.constant 0 : i32
      %dma_start3A_243 = tpu.memref_slice %arg9[%dma_start3A_240, %dma_start3A_241, %dma_start3A_242] : memref<1x128x128xf32, #tpu.memory_space<vmem>> -> memref<1x128x128xf32, #tpu.memory_space<vmem>>
      %dma_start3A_244 = tpu.memref_squeeze %dma_start3A_243 : memref<1x128x128xf32, #tpu.memory_space<vmem>> -> memref<128x128xf32, #tpu.memory_space<vmem>>
      %dma_start3A_245 = arith.constant 0 : i32
      %dma_start3A_246 = tpu.memref_slice %arg7[%add3A_239, %dma_start3A_245] : memref<104x128xi32, #tpu.memory_space<vmem>> -> memref<1x128xi32, #tpu.memory_space<vmem>>
      %dma_start3A_247 = tpu.memref_squeeze %dma_start3A_246 : memref<1x128xi32, #tpu.memory_space<vmem>> -> memref<128xi32, #tpu.memory_space<vmem>>
      %dma_start3A_248 = arith.constant 0 : i32
      %dma_start3A_249 = arith.constant 0 : i32
      %dma_start3A_250 = tpu.memref_slice %arg5[%dma_start3A_248, %dma_start3A_249] : memref<524288x128xf32, #tpu.memory_space<hbm>> -> memref<524288x128xf32, #tpu.memory_space<hbm>>
      tpu.enqueue_indirect_dma source(%dma_start3A_244 : memref<128x128xf32, #tpu.memory_space<vmem>>) target(%dma_start3A_250 : memref<524288x128xf32, #tpu.memory_space<hbm>>) offsets(%dma_start3A_247 : memref<128xi32, #tpu.memory_space<vmem>>) semaphore(%arg17 : memref<!tpu.dma_semaphore, #tpu.memory_space<semaphore_mem>>)
      %add3A_251 = arith.constant 2 : i32
      %add3A_252 = arith.addi %mul3A_198, %add3A_251 : i32
      %dma_wait3A_253 = arith.constant 0 : i32
      %dma_wait3A_254 = arith.constant 0 : i32
      %dma_wait3A_255 = arith.constant 0 : i32
      %dma_wait3A_256 = tpu.memref_slice %arg10[%dma_wait3A_253, %dma_wait3A_254, %dma_wait3A_255] : memref<1x128x128xf32, #tpu.memory_space<vmem>> -> memref<1x128x128xf32, #tpu.memory_space<vmem>>
      %dma_wait3A_257 = tpu.memref_squeeze %dma_wait3A_256 : memref<1x128x128xf32, #tpu.memory_space<vmem>> -> memref<128x128xf32, #tpu.memory_space<vmem>>
      %dma_wait3A_258 = arith.constant 0 : i32
      %dma_wait3A_259 = tpu.memref_slice %arg6[%add3A_252, %dma_wait3A_258] : memref<104x128xi32, #tpu.memory_space<vmem>> -> memref<1x128xi32, #tpu.memory_space<vmem>>
      %dma_wait3A_260 = tpu.memref_squeeze %dma_wait3A_259 : memref<1x128xi32, #tpu.memory_space<vmem>> -> memref<128xi32, #tpu.memory_space<vmem>>
      %dma_wait3A_261 = arith.constant 0 : i32
      %dma_wait3A_262 = arith.constant 0 : i32
      %dma_wait3A_263 = tpu.memref_slice %arg4[%dma_wait3A_261, %dma_wait3A_262] : memref<1000000x128xf32, #tpu.memory_space<hbm>> -> memref<1000000x128xf32, #tpu.memory_space<hbm>>
      tpu.wait_indirect_dma semaphore(%arg14 : memref<!tpu.dma_semaphore, #tpu.memory_space<semaphore_mem>>) src(%dma_wait3A_263 : memref<1000000x128xf32, #tpu.memory_space<hbm>>) dst(%dma_wait3A_257 : memref<128x128xf32, #tpu.memory_space<vmem>>)
      %add3A_264 = arith.constant 2 : i32
      %add3A_265 = arith.addi %mul3A_198, %add3A_264 : i32
      %dma_start3A_266 = arith.constant 0 : i32
      %dma_start3A_267 = arith.constant 0 : i32
      %dma_start3A_268 = arith.constant 0 : i32
      %dma_start3A_269 = tpu.memref_slice %arg10[%dma_start3A_266, %dma_start3A_267, %dma_start3A_268] : memref<1x128x128xf32, #tpu.memory_space<vmem>> -> memref<1x128x128xf32, #tpu.memory_space<vmem>>
      %dma_start3A_270 = tpu.memref_squeeze %dma_start3A_269 : memref<1x128x128xf32, #tpu.memory_space<vmem>> -> memref<128x128xf32, #tpu.memory_space<vmem>>
      %dma_start3A_271 = arith.constant 0 : i32
      %dma_start3A_272 = tpu.memref_slice %arg7[%add3A_265, %dma_start3A_271] : memref<104x128xi32, #tpu.memory_space<vmem>> -> memref<1x128xi32, #tpu.memory_space<vmem>>
      %dma_start3A_273 = tpu.memref_squeeze %dma_start3A_272 : memref<1x128xi32, #tpu.memory_space<vmem>> -> memref<128xi32, #tpu.memory_space<vmem>>
      %dma_start3A_274 = arith.constant 0 : i32
      %dma_start3A_275 = arith.constant 0 : i32
      %dma_start3A_276 = tpu.memref_slice %arg5[%dma_start3A_274, %dma_start3A_275] : memref<524288x128xf32, #tpu.memory_space<hbm>> -> memref<524288x128xf32, #tpu.memory_space<hbm>>
      tpu.enqueue_indirect_dma source(%dma_start3A_270 : memref<128x128xf32, #tpu.memory_space<vmem>>) target(%dma_start3A_276 : memref<524288x128xf32, #tpu.memory_space<hbm>>) offsets(%dma_start3A_273 : memref<128xi32, #tpu.memory_space<vmem>>) semaphore(%arg18 : memref<!tpu.dma_semaphore, #tpu.memory_space<semaphore_mem>>)
      %add3A_277 = arith.constant 3 : i32
      %add3A_278 = arith.addi %mul3A_198, %add3A_277 : i32
      %dma_wait3A_279 = arith.constant 0 : i32
      %dma_wait3A_280 = arith.constant 0 : i32
      %dma_wait3A_281 = arith.constant 0 : i32
      %dma_wait3A_282 = tpu.memref_slice %arg11[%dma_wait3A_279, %dma_wait3A_280, %dma_wait3A_281] : memref<1x128x128xf32, #tpu.memory_space<vmem>> -> memref<1x128x128xf32, #tpu.memory_space<vmem>>
      %dma_wait3A_283 = tpu.memref_squeeze %dma_wait3A_282 : memref<1x128x128xf32, #tpu.memory_space<vmem>> -> memref<128x128xf32, #tpu.memory_space<vmem>>
      %dma_wait3A_284 = arith.constant 0 : i32
      %dma_wait3A_285 = tpu.memref_slice %arg6[%add3A_278, %dma_wait3A_284] : memref<104x128xi32, #tpu.memory_space<vmem>> -> memref<1x128xi32, #tpu.memory_space<vmem>>
      %dma_wait3A_286 = tpu.memref_squeeze %dma_wait3A_285 : memref<1x128xi32, #tpu.memory_space<vmem>> -> memref<128xi32, #tpu.memory_space<vmem>>
      %dma_wait3A_287 = arith.constant 0 : i32
      %dma_wait3A_288 = arith.constant 0 : i32
      %dma_wait3A_289 = tpu.memref_slice %arg4[%dma_wait3A_287, %dma_wait3A_288] : memref<1000000x128xf32, #tpu.memory_space<hbm>> -> memref<1000000x128xf32, #tpu.memory_space<hbm>>
      tpu.wait_indirect_dma semaphore(%arg15 : memref<!tpu.dma_semaphore, #tpu.memory_space<semaphore_mem>>) src(%dma_wait3A_289 : memref<1000000x128xf32, #tpu.memory_space<hbm>>) dst(%dma_wait3A_283 : memref<128x128xf32, #tpu.memory_space<vmem>>)
      %add3A_290 = arith.constant 3 : i32
      %add3A_291 = arith.addi %mul3A_198, %add3A_290 : i32
      %dma_start3A_292 = arith.constant 0 : i32
      %dma_start3A_293 = arith.constant 0 : i32
      %dma_start3A_294 = arith.constant 0 : i32
      %dma_start3A_295 = tpu.memref_slice %arg11[%dma_start3A_292, %dma_start3A_293, %dma_start3A_294] : memref<1x128x128xf32, #tpu.memory_space<vmem>> -> memref<1x128x128xf32, #tpu.memory_space<vmem>>
      %dma_start3A_296 = tpu.memref_squeeze %dma_start3A_295 : memref<1x128x128xf32, #tpu.memory_space<vmem>> -> memref<128x128xf32, #tpu.memory_space<vmem>>
      %dma_start3A_297 = arith.constant 0 : i32
      %dma_start3A_298 = tpu.memref_slice %arg7[%add3A_291, %dma_start3A_297] : memref<104x128xi32, #tpu.memory_space<vmem>> -> memref<1x128xi32, #tpu.memory_space<vmem>>
      %dma_start3A_299 = tpu.memref_squeeze %dma_start3A_298 : memref<1x128xi32, #tpu.memory_space<vmem>> -> memref<128xi32, #tpu.memory_space<vmem>>
      %dma_start3A_300 = arith.constant 0 : i32
      %dma_start3A_301 = arith.constant 0 : i32
      %dma_start3A_302 = tpu.memref_slice %arg5[%dma_start3A_300, %dma_start3A_301] : memref<524288x128xf32, #tpu.memory_space<hbm>> -> memref<524288x128xf32, #tpu.memory_space<hbm>>
      tpu.enqueue_indirect_dma source(%dma_start3A_296 : memref<128x128xf32, #tpu.memory_space<vmem>>) target(%dma_start3A_302 : memref<524288x128xf32, #tpu.memory_space<hbm>>) offsets(%dma_start3A_299 : memref<128xi32, #tpu.memory_space<vmem>>) semaphore(%arg19 : memref<!tpu.dma_semaphore, #tpu.memory_space<semaphore_mem>>)
      %add3A_303 = arith.constant 0 : i32
      %add3A_304 = arith.addi %mul3A_198, %add3A_303 : i32
      %dma_wait3A_305 = arith.constant 0 : i32
      %dma_wait3A_306 = arith.constant 0 : i32
      %dma_wait3A_307 = arith.constant 0 : i32
      %dma_wait3A_308 = tpu.memref_slice %arg8[%dma_wait3A_305, %dma_wait3A_306, %dma_wait3A_307] : memref<1x128x128xf32, #tpu.memory_space<vmem>> -> memref<1x128x128xf32, #tpu.memory_space<vmem>>
      %dma_wait3A_309 = tpu.memref_squeeze %dma_wait3A_308 : memref<1x128x128xf32, #tpu.memory_space<vmem>> -> memref<128x128xf32, #tpu.memory_space<vmem>>
      %dma_wait3A_310 = arith.constant 0 : i32
      %dma_wait3A_311 = tpu.memref_slice %arg7[%add3A_304, %dma_wait3A_310] : memref<104x128xi32, #tpu.memory_space<vmem>> -> memref<1x128xi32, #tpu.memory_space<vmem>>
      %dma_wait3A_312 = tpu.memref_squeeze %dma_wait3A_311 : memref<1x128xi32, #tpu.memory_space<vmem>> -> memref<128xi32, #tpu.memory_space<vmem>>
      %dma_wait3A_313 = arith.constant 0 : i32
      %dma_wait3A_314 = arith.constant 0 : i32
      %dma_wait3A_315 = tpu.memref_slice %arg5[%dma_wait3A_313, %dma_wait3A_314] : memref<524288x128xf32, #tpu.memory_space<hbm>> -> memref<524288x128xf32, #tpu.memory_space<hbm>>
      tpu.wait_indirect_dma semaphore(%arg16 : memref<!tpu.dma_semaphore, #tpu.memory_space<semaphore_mem>>) src(%dma_wait3A_309 : memref<128x128xf32, #tpu.memory_space<vmem>>) dst(%dma_wait3A_315 : memref<524288x128xf32, #tpu.memory_space<hbm>>)
      %add3A_316 = arith.constant 4 : i32
      %add3A_317 = arith.addi %mul3A_198, %add3A_316 : i32
      %add3A_318 = arith.constant 0 : i32
      %add3A_319 = arith.addi %add3A_317, %add3A_318 : i32
      %dma_start3A_320 = arith.constant 0 : i32
      %dma_start3A_321 = arith.constant 0 : i32
      %dma_start3A_322 = arith.constant 0 : i32
      %dma_start3A_323 = tpu.memref_slice %arg8[%dma_start3A_320, %dma_start3A_321, %dma_start3A_322] : memref<1x128x128xf32, #tpu.memory_space<vmem>> -> memref<1x128x128xf32, #tpu.memory_space<vmem>>
      %dma_start3A_324 = tpu.memref_squeeze %dma_start3A_323 : memref<1x128x128xf32, #tpu.memory_space<vmem>> -> memref<128x128xf32, #tpu.memory_space<vmem>>
      %dma_start3A_325 = arith.constant 0 : i32
      %dma_start3A_326 = tpu.memref_slice %arg6[%add3A_319, %dma_start3A_325] : memref<104x128xi32, #tpu.memory_space<vmem>> -> memref<1x128xi32, #tpu.memory_space<vmem>>
      %dma_start3A_327 = tpu.memref_squeeze %dma_start3A_326 : memref<1x128xi32, #tpu.memory_space<vmem>> -> memref<128xi32, #tpu.memory_space<vmem>>
      %dma_start3A_328 = arith.constant 0 : i32
      %dma_start3A_329 = arith.constant 0 : i32
      %dma_start3A_330 = tpu.memref_slice %arg4[%dma_start3A_328, %dma_start3A_329] : memref<1000000x128xf32, #tpu.memory_space<hbm>> -> memref<1000000x128xf32, #tpu.memory_space<hbm>>
      tpu.enqueue_indirect_dma source(%dma_start3A_330 : memref<1000000x128xf32, #tpu.memory_space<hbm>>) target(%dma_start3A_324 : memref<128x128xf32, #tpu.memory_space<vmem>>) offsets(%dma_start3A_327 : memref<128xi32, #tpu.memory_space<vmem>>) semaphore(%arg12 : memref<!tpu.dma_semaphore, #tpu.memory_space<semaphore_mem>>)
      %add3A_331 = arith.constant 1 : i32
      %add3A_332 = arith.addi %mul3A_198, %add3A_331 : i32
      %dma_wait3A_333 = arith.constant 0 : i32
      %dma_wait3A_334 = arith.constant 0 : i32
      %dma_wait3A_335 = arith.constant 0 : i32
      %dma_wait3A_336 = tpu.memref_slice %arg9[%dma_wait3A_333, %dma_wait3A_334, %dma_wait3A_335] : memref<1x128x128xf32, #tpu.memory_space<vmem>> -> memref<1x128x128xf32, #tpu.memory_space<vmem>>
      %dma_wait3A_337 = tpu.memref_squeeze %dma_wait3A_336 : memref<1x128x128xf32, #tpu.memory_space<vmem>> -> memref<128x128xf32, #tpu.memory_space<vmem>>
      %dma_wait3A_338 = arith.constant 0 : i32
      %dma_wait3A_339 = tpu.memref_slice %arg7[%add3A_332, %dma_wait3A_338] : memref<104x128xi32, #tpu.memory_space<vmem>> -> memref<1x128xi32, #tpu.memory_space<vmem>>
      %dma_wait3A_340 = tpu.memref_squeeze %dma_wait3A_339 : memref<1x128xi32, #tpu.memory_space<vmem>> -> memref<128xi32, #tpu.memory_space<vmem>>
      %dma_wait3A_341 = arith.constant 0 : i32
      %dma_wait3A_342 = arith.constant 0 : i32
      %dma_wait3A_343 = tpu.memref_slice %arg5[%dma_wait3A_341, %dma_wait3A_342] : memref<524288x128xf32, #tpu.memory_space<hbm>> -> memref<524288x128xf32, #tpu.memory_space<hbm>>
      tpu.wait_indirect_dma semaphore(%arg17 : memref<!tpu.dma_semaphore, #tpu.memory_space<semaphore_mem>>) src(%dma_wait3A_337 : memref<128x128xf32, #tpu.memory_space<vmem>>) dst(%dma_wait3A_343 : memref<524288x128xf32, #tpu.memory_space<hbm>>)
      %add3A_344 = arith.constant 4 : i32
      %add3A_345 = arith.addi %mul3A_198, %add3A_344 : i32
      %add3A_346 = arith.constant 1 : i32
      %add3A_347 = arith.addi %add3A_345, %add3A_346 : i32
      %dma_start3A_348 = arith.constant 0 : i32
      %dma_start3A_349 = arith.constant 0 : i32
      %dma_start3A_350 = arith.constant 0 : i32
      %dma_start3A_351 = tpu.memref_slice %arg9[%dma_start3A_348, %dma_start3A_349, %dma_start3A_350] : memref<1x128x128xf32, #tpu.memory_space<vmem>> -> memref<1x128x128xf32, #tpu.memory_space<vmem>>
      %dma_start3A_352 = tpu.memref_squeeze %dma_start3A_351 : memref<1x128x128xf32, #tpu.memory_space<vmem>> -> memref<128x128xf32, #tpu.memory_space<vmem>>
      %dma_start3A_353 = arith.constant 0 : i32
      %dma_start3A_354 = tpu.memref_slice %arg6[%add3A_347, %dma_start3A_353] : memref<104x128xi32, #tpu.memory_space<vmem>> -> memref<1x128xi32, #tpu.memory_space<vmem>>
      %dma_start3A_355 = tpu.memref_squeeze %dma_start3A_354 : memref<1x128xi32, #tpu.memory_space<vmem>> -> memref<128xi32, #tpu.memory_space<vmem>>
      %dma_start3A_356 = arith.constant 0 : i32
      %dma_start3A_357 = arith.constant 0 : i32
      %dma_start3A_358 = tpu.memref_slice %arg4[%dma_start3A_356, %dma_start3A_357] : memref<1000000x128xf32, #tpu.memory_space<hbm>> -> memref<1000000x128xf32, #tpu.memory_space<hbm>>
      tpu.enqueue_indirect_dma source(%dma_start3A_358 : memref<1000000x128xf32, #tpu.memory_space<hbm>>) target(%dma_start3A_352 : memref<128x128xf32, #tpu.memory_space<vmem>>) offsets(%dma_start3A_355 : memref<128xi32, #tpu.memory_space<vmem>>) semaphore(%arg13 : memref<!tpu.dma_semaphore, #tpu.memory_space<semaphore_mem>>)
      %add3A_359 = arith.constant 2 : i32
      %add3A_360 = arith.addi %mul3A_198, %add3A_359 : i32
      %dma_wait3A_361 = arith.constant 0 : i32
      %dma_wait3A_362 = arith.constant 0 : i32
      %dma_wait3A_363 = arith.constant 0 : i32
      %dma_wait3A_364 = tpu.memref_slice %arg10[%dma_wait3A_361, %dma_wait3A_362, %dma_wait3A_363] : memref<1x128x128xf32, #tpu.memory_space<vmem>> -> memref<1x128x128xf32, #tpu.memory_space<vmem>>
      %dma_wait3A_365 = tpu.memref_squeeze %dma_wait3A_364 : memref<1x128x128xf32, #tpu.memory_space<vmem>> -> memref<128x128xf32, #tpu.memory_space<vmem>>
      %dma_wait3A_366 = arith.constant 0 : i32
      %dma_wait3A_367 = tpu.memref_slice %arg7[%add3A_360, %dma_wait3A_366] : memref<104x128xi32, #tpu.memory_space<vmem>> -> memref<1x128xi32, #tpu.memory_space<vmem>>
      %dma_wait3A_368 = tpu.memref_squeeze %dma_wait3A_367 : memref<1x128xi32, #tpu.memory_space<vmem>> -> memref<128xi32, #tpu.memory_space<vmem>>
      %dma_wait3A_369 = arith.constant 0 : i32
      %dma_wait3A_370 = arith.constant 0 : i32
      %dma_wait3A_371 = tpu.memref_slice %arg5[%dma_wait3A_369, %dma_wait3A_370] : memref<524288x128xf32, #tpu.memory_space<hbm>> -> memref<524288x128xf32, #tpu.memory_space<hbm>>
      tpu.wait_indirect_dma semaphore(%arg18 : memref<!tpu.dma_semaphore, #tpu.memory_space<semaphore_mem>>) src(%dma_wait3A_365 : memref<128x128xf32, #tpu.memory_space<vmem>>) dst(%dma_wait3A_371 : memref<524288x128xf32, #tpu.memory_space<hbm>>)
      %add3A_372 = arith.constant 4 : i32
      %add3A_373 = arith.addi %mul3A_198, %add3A_372 : i32
      %add3A_374 = arith.constant 2 : i32
      %add3A_375 = arith.addi %add3A_373, %add3A_374 : i32
      %dma_start3A_376 = arith.constant 0 : i32
      %dma_start3A_377 = arith.constant 0 : i32
      %dma_start3A_378 = arith.constant 0 : i32
      %dma_start3A_379 = tpu.memref_slice %arg10[%dma_start3A_376, %dma_start3A_377, %dma_start3A_378] : memref<1x128x128xf32, #tpu.memory_space<vmem>> -> memref<1x128x128xf32, #tpu.memory_space<vmem>>
      %dma_start3A_380 = tpu.memref_squeeze %dma_start3A_379 : memref<1x128x128xf32, #tpu.memory_space<vmem>> -> memref<128x128xf32, #tpu.memory_space<vmem>>
      %dma_start3A_381 = arith.constant 0 : i32
      %dma_start3A_382 = tpu.memref_slice %arg6[%add3A_375, %dma_start3A_381] : memref<104x128xi32, #tpu.memory_space<vmem>> -> memref<1x128xi32, #tpu.memory_space<vmem>>
      %dma_start3A_383 = tpu.memref_squeeze %dma_start3A_382 : memref<1x128xi32, #tpu.memory_space<vmem>> -> memref<128xi32, #tpu.memory_space<vmem>>
      %dma_start3A_384 = arith.constant 0 : i32
      %dma_start3A_385 = arith.constant 0 : i32
      %dma_start3A_386 = tpu.memref_slice %arg4[%dma_start3A_384, %dma_start3A_385] : memref<1000000x128xf32, #tpu.memory_space<hbm>> -> memref<1000000x128xf32, #tpu.memory_space<hbm>>
      tpu.enqueue_indirect_dma source(%dma_start3A_386 : memref<1000000x128xf32, #tpu.memory_space<hbm>>) target(%dma_start3A_380 : memref<128x128xf32, #tpu.memory_space<vmem>>) offsets(%dma_start3A_383 : memref<128xi32, #tpu.memory_space<vmem>>) semaphore(%arg14 : memref<!tpu.dma_semaphore, #tpu.memory_space<semaphore_mem>>)
      %add3A_387 = arith.constant 3 : i32
      %add3A_388 = arith.addi %mul3A_198, %add3A_387 : i32
      %dma_wait3A_389 = arith.constant 0 : i32
      %dma_wait3A_390 = arith.constant 0 : i32
      %dma_wait3A_391 = arith.constant 0 : i32
      %dma_wait3A_392 = tpu.memref_slice %arg11[%dma_wait3A_389, %dma_wait3A_390, %dma_wait3A_391] : memref<1x128x128xf32, #tpu.memory_space<vmem>> -> memref<1x128x128xf32, #tpu.memory_space<vmem>>
      %dma_wait3A_393 = tpu.memref_squeeze %dma_wait3A_392 : memref<1x128x128xf32, #tpu.memory_space<vmem>> -> memref<128x128xf32, #tpu.memory_space<vmem>>
      %dma_wait3A_394 = arith.constant 0 : i32
      %dma_wait3A_395 = tpu.memref_slice %arg7[%add3A_388, %dma_wait3A_394] : memref<104x128xi32, #tpu.memory_space<vmem>> -> memref<1x128xi32, #tpu.memory_space<vmem>>
      %dma_wait3A_396 = tpu.memref_squeeze %dma_wait3A_395 : memref<1x128xi32, #tpu.memory_space<vmem>> -> memref<128xi32, #tpu.memory_space<vmem>>
      %dma_wait3A_397 = arith.constant 0 : i32
      %dma_wait3A_398 = arith.constant 0 : i32
      %dma_wait3A_399 = tpu.memref_slice %arg5[%dma_wait3A_397, %dma_wait3A_398] : memref<524288x128xf32, #tpu.memory_space<hbm>> -> memref<524288x128xf32, #tpu.memory_space<hbm>>
      tpu.wait_indirect_dma semaphore(%arg19 : memref<!tpu.dma_semaphore, #tpu.memory_space<semaphore_mem>>) src(%dma_wait3A_393 : memref<128x128xf32, #tpu.memory_space<vmem>>) dst(%dma_wait3A_399 : memref<524288x128xf32, #tpu.memory_space<hbm>>)
      %add3A_400 = arith.constant 4 : i32
      %add3A_401 = arith.addi %mul3A_198, %add3A_400 : i32
      %add3A_402 = arith.constant 3 : i32
      %add3A_403 = arith.addi %add3A_401, %add3A_402 : i32
      %dma_start3A_404 = arith.constant 0 : i32
      %dma_start3A_405 = arith.constant 0 : i32
      %dma_start3A_406 = arith.constant 0 : i32
      %dma_start3A_407 = tpu.memref_slice %arg11[%dma_start3A_404, %dma_start3A_405, %dma_start3A_406] : memref<1x128x128xf32, #tpu.memory_space<vmem>> -> memref<1x128x128xf32, #tpu.memory_space<vmem>>
      %dma_start3A_408 = tpu.memref_squeeze %dma_start3A_407 : memref<1x128x128xf32, #tpu.memory_space<vmem>> -> memref<128x128xf32, #tpu.memory_space<vmem>>
      %dma_start3A_409 = arith.constant 0 : i32
      %dma_start3A_410 = tpu.memref_slice %arg6[%add3A_403, %dma_start3A_409] : memref<104x128xi32, #tpu.memory_space<vmem>> -> memref<1x128xi32, #tpu.memory_space<vmem>>
      %dma_start3A_411 = tpu.memref_squeeze %dma_start3A_410 : memref<1x128xi32, #tpu.memory_space<vmem>> -> memref<128xi32, #tpu.memory_space<vmem>>
      %dma_start3A_412 = arith.constant 0 : i32
      %dma_start3A_413 = arith.constant 0 : i32
      %dma_start3A_414 = tpu.memref_slice %arg4[%dma_start3A_412, %dma_start3A_413] : memref<1000000x128xf32, #tpu.memory_space<hbm>> -> memref<1000000x128xf32, #tpu.memory_space<hbm>>
      tpu.enqueue_indirect_dma source(%dma_start3A_414 : memref<1000000x128xf32, #tpu.memory_space<hbm>>) target(%dma_start3A_408 : memref<128x128xf32, #tpu.memory_space<vmem>>) offsets(%dma_start3A_411 : memref<128xi32, #tpu.memory_space<vmem>>) semaphore(%arg15 : memref<!tpu.dma_semaphore, #tpu.memory_space<semaphore_mem>>)
    }
    %scan3A_52 = arith.constant 25 : i32
    %dma_wait3A = arith.constant 100 : i32
    %dma_wait3A_53 = arith.constant 0 : i32
    %dma_wait3A_54 = arith.constant 0 : i32
    %dma_wait3A_55 = arith.constant 0 : i32
    %dma_wait3A_56 = tpu.memref_slice %arg8[%dma_wait3A_53, %dma_wait3A_54, %dma_wait3A_55] : memref<1x128x128xf32, #tpu.memory_space<vmem>> -> memref<1x128x128xf32, #tpu.memory_space<vmem>>
    %dma_wait3A_57 = tpu.memref_squeeze %dma_wait3A_56 : memref<1x128x128xf32, #tpu.memory_space<vmem>> -> memref<128x128xf32, #tpu.memory_space<vmem>>
    %dma_wait3A_58 = arith.constant 0 : i32
    %dma_wait3A_59 = tpu.memref_slice %arg6[%dma_wait3A, %dma_wait3A_58] : memref<104x128xi32, #tpu.memory_space<vmem>> -> memref<1x128xi32, #tpu.memory_space<vmem>>
    %dma_wait3A_60 = tpu.memref_squeeze %dma_wait3A_59 : memref<1x128xi32, #tpu.memory_space<vmem>> -> memref<128xi32, #tpu.memory_space<vmem>>
    %dma_wait3A_61 = arith.constant 0 : i32
    %dma_wait3A_62 = arith.constant 0 : i32
    %dma_wait3A_63 = tpu.memref_slice %arg4[%dma_wait3A_61, %dma_wait3A_62] : memref<1000000x128xf32, #tpu.memory_space<hbm>> -> memref<1000000x128xf32, #tpu.memory_space<hbm>>
    tpu.wait_indirect_dma semaphore(%arg12 : memref<!tpu.dma_semaphore, #tpu.memory_space<semaphore_mem>>) src(%dma_wait3A_63 : memref<1000000x128xf32, #tpu.memory_space<hbm>>) dst(%dma_wait3A_57 : memref<128x128xf32, #tpu.memory_space<vmem>>)
    %dma_start3A_64 = arith.constant 0 : i32
    %dma_start3A_65 = arith.constant 100 : i32
    %dma_start3A_66 = arith.constant 0 : i32
    %dma_start3A_67 = arith.constant 0 : i32
    %dma_start3A_68 = tpu.memref_slice %arg8[%dma_start3A_64, %dma_start3A_66, %dma_start3A_67] : memref<1x128x128xf32, #tpu.memory_space<vmem>> -> memref<1x128x128xf32, #tpu.memory_space<vmem>>
    %dma_start3A_69 = tpu.memref_squeeze %dma_start3A_68 : memref<1x128x128xf32, #tpu.memory_space<vmem>> -> memref<128x128xf32, #tpu.memory_space<vmem>>
    %dma_start3A_70 = arith.constant 0 : i32
    %dma_start3A_71 = tpu.memref_slice %arg7[%dma_start3A_65, %dma_start3A_70] : memref<104x128xi32, #tpu.memory_space<vmem>> -> memref<1x128xi32, #tpu.memory_space<vmem>>
    %dma_start3A_72 = tpu.memref_squeeze %dma_start3A_71 : memref<1x128xi32, #tpu.memory_space<vmem>> -> memref<128xi32, #tpu.memory_space<vmem>>
    %dma_start3A_73 = arith.constant 0 : i32
    %dma_start3A_74 = arith.constant 0 : i32
    %dma_start3A_75 = tpu.memref_slice %arg5[%dma_start3A_73, %dma_start3A_74] : memref<524288x128xf32, #tpu.memory_space<hbm>> -> memref<524288x128xf32, #tpu.memory_space<hbm>>
    tpu.enqueue_indirect_dma source(%dma_start3A_69 : memref<128x128xf32, #tpu.memory_space<vmem>>) target(%dma_start3A_75 : memref<524288x128xf32, #tpu.memory_space<hbm>>) offsets(%dma_start3A_72 : memref<128xi32, #tpu.memory_space<vmem>>) semaphore(%arg16 : memref<!tpu.dma_semaphore, #tpu.memory_space<semaphore_mem>>)
    %dma_wait3A_76 = arith.constant 101 : i32
    %dma_wait3A_77 = arith.constant 0 : i32
    %dma_wait3A_78 = arith.constant 0 : i32
    %dma_wait3A_79 = arith.constant 0 : i32
    %dma_wait3A_80 = tpu.memref_slice %arg9[%dma_wait3A_77, %dma_wait3A_78, %dma_wait3A_79] : memref<1x128x128xf32, #tpu.memory_space<vmem>> -> memref<1x128x128xf32, #tpu.memory_space<vmem>>
    %dma_wait3A_81 = tpu.memref_squeeze %dma_wait3A_80 : memref<1x128x128xf32, #tpu.memory_space<vmem>> -> memref<128x128xf32, #tpu.memory_space<vmem>>
    %dma_wait3A_82 = arith.constant 0 : i32
    %dma_wait3A_83 = tpu.memref_slice %arg6[%dma_wait3A_76, %dma_wait3A_82] : memref<104x128xi32, #tpu.memory_space<vmem>> -> memref<1x128xi32, #tpu.memory_space<vmem>>
    %dma_wait3A_84 = tpu.memref_squeeze %dma_wait3A_83 : memref<1x128xi32, #tpu.memory_space<vmem>> -> memref<128xi32, #tpu.memory_space<vmem>>
    %dma_wait3A_85 = arith.constant 0 : i32
    %dma_wait3A_86 = arith.constant 0 : i32
    %dma_wait3A_87 = tpu.memref_slice %arg4[%dma_wait3A_85, %dma_wait3A_86] : memref<1000000x128xf32, #tpu.memory_space<hbm>> -> memref<1000000x128xf32, #tpu.memory_space<hbm>>
    tpu.wait_indirect_dma semaphore(%arg13 : memref<!tpu.dma_semaphore, #tpu.memory_space<semaphore_mem>>) src(%dma_wait3A_87 : memref<1000000x128xf32, #tpu.memory_space<hbm>>) dst(%dma_wait3A_81 : memref<128x128xf32, #tpu.memory_space<vmem>>)
    %dma_start3A_88 = arith.constant 0 : i32
    %dma_start3A_89 = arith.constant 101 : i32
    %dma_start3A_90 = arith.constant 0 : i32
    %dma_start3A_91 = arith.constant 0 : i32
    %dma_start3A_92 = tpu.memref_slice %arg9[%dma_start3A_88, %dma_start3A_90, %dma_start3A_91] : memref<1x128x128xf32, #tpu.memory_space<vmem>> -> memref<1x128x128xf32, #tpu.memory_space<vmem>>
    %dma_start3A_93 = tpu.memref_squeeze %dma_start3A_92 : memref<1x128x128xf32, #tpu.memory_space<vmem>> -> memref<128x128xf32, #tpu.memory_space<vmem>>
    %dma_start3A_94 = arith.constant 0 : i32
    %dma_start3A_95 = tpu.memref_slice %arg7[%dma_start3A_89, %dma_start3A_94] : memref<104x128xi32, #tpu.memory_space<vmem>> -> memref<1x128xi32, #tpu.memory_space<vmem>>
    %dma_start3A_96 = tpu.memref_squeeze %dma_start3A_95 : memref<1x128xi32, #tpu.memory_space<vmem>> -> memref<128xi32, #tpu.memory_space<vmem>>
    %dma_start3A_97 = arith.constant 0 : i32
    %dma_start3A_98 = arith.constant 0 : i32
    %dma_start3A_99 = tpu.memref_slice %arg5[%dma_start3A_97, %dma_start3A_98] : memref<524288x128xf32, #tpu.memory_space<hbm>> -> memref<524288x128xf32, #tpu.memory_space<hbm>>
    tpu.enqueue_indirect_dma source(%dma_start3A_93 : memref<128x128xf32, #tpu.memory_space<vmem>>) target(%dma_start3A_99 : memref<524288x128xf32, #tpu.memory_space<hbm>>) offsets(%dma_start3A_96 : memref<128xi32, #tpu.memory_space<vmem>>) semaphore(%arg17 : memref<!tpu.dma_semaphore, #tpu.memory_space<semaphore_mem>>)
    %dma_wait3A_100 = arith.constant 102 : i32
    %dma_wait3A_101 = arith.constant 0 : i32
    %dma_wait3A_102 = arith.constant 0 : i32
    %dma_wait3A_103 = arith.constant 0 : i32
    %dma_wait3A_104 = tpu.memref_slice %arg10[%dma_wait3A_101, %dma_wait3A_102, %dma_wait3A_103] : memref<1x128x128xf32, #tpu.memory_space<vmem>> -> memref<1x128x128xf32, #tpu.memory_space<vmem>>
    %dma_wait3A_105 = tpu.memref_squeeze %dma_wait3A_104 : memref<1x128x128xf32, #tpu.memory_space<vmem>> -> memref<128x128xf32, #tpu.memory_space<vmem>>
    %dma_wait3A_106 = arith.constant 0 : i32
    %dma_wait3A_107 = tpu.memref_slice %arg6[%dma_wait3A_100, %dma_wait3A_106] : memref<104x128xi32, #tpu.memory_space<vmem>> -> memref<1x128xi32, #tpu.memory_space<vmem>>
    %dma_wait3A_108 = tpu.memref_squeeze %dma_wait3A_107 : memref<1x128xi32, #tpu.memory_space<vmem>> -> memref<128xi32, #tpu.memory_space<vmem>>
    %dma_wait3A_109 = arith.constant 0 : i32
    %dma_wait3A_110 = arith.constant 0 : i32
    %dma_wait3A_111 = tpu.memref_slice %arg4[%dma_wait3A_109, %dma_wait3A_110] : memref<1000000x128xf32, #tpu.memory_space<hbm>> -> memref<1000000x128xf32, #tpu.memory_space<hbm>>
    tpu.wait_indirect_dma semaphore(%arg14 : memref<!tpu.dma_semaphore, #tpu.memory_space<semaphore_mem>>) src(%dma_wait3A_111 : memref<1000000x128xf32, #tpu.memory_space<hbm>>) dst(%dma_wait3A_105 : memref<128x128xf32, #tpu.memory_space<vmem>>)
    %dma_start3A_112 = arith.constant 0 : i32
    %dma_start3A_113 = arith.constant 102 : i32
    %dma_start3A_114 = arith.constant 0 : i32
    %dma_start3A_115 = arith.constant 0 : i32
    %dma_start3A_116 = tpu.memref_slice %arg10[%dma_start3A_112, %dma_start3A_114, %dma_start3A_115] : memref<1x128x128xf32, #tpu.memory_space<vmem>> -> memref<1x128x128xf32, #tpu.memory_space<vmem>>
    %dma_start3A_117 = tpu.memref_squeeze %dma_start3A_116 : memref<1x128x128xf32, #tpu.memory_space<vmem>> -> memref<128x128xf32, #tpu.memory_space<vmem>>
    %dma_start3A_118 = arith.constant 0 : i32
    %dma_start3A_119 = tpu.memref_slice %arg7[%dma_start3A_113, %dma_start3A_118] : memref<104x128xi32, #tpu.memory_space<vmem>> -> memref<1x128xi32, #tpu.memory_space<vmem>>
    %dma_start3A_120 = tpu.memref_squeeze %dma_start3A_119 : memref<1x128xi32, #tpu.memory_space<vmem>> -> memref<128xi32, #tpu.memory_space<vmem>>
    %dma_start3A_121 = arith.constant 0 : i32
    %dma_start3A_122 = arith.constant 0 : i32
    %dma_start3A_123 = tpu.memref_slice %arg5[%dma_start3A_121, %dma_start3A_122] : memref<524288x128xf32, #tpu.memory_space<hbm>> -> memref<524288x128xf32, #tpu.memory_space<hbm>>
    tpu.enqueue_indirect_dma source(%dma_start3A_117 : memref<128x128xf32, #tpu.memory_space<vmem>>) target(%dma_start3A_123 : memref<524288x128xf32, #tpu.memory_space<hbm>>) offsets(%dma_start3A_120 : memref<128xi32, #tpu.memory_space<vmem>>) semaphore(%arg18 : memref<!tpu.dma_semaphore, #tpu.memory_space<semaphore_mem>>)
    %dma_wait3A_124 = arith.constant 103 : i32
    %dma_wait3A_125 = arith.constant 0 : i32
    %dma_wait3A_126 = arith.constant 0 : i32
    %dma_wait3A_127 = arith.constant 0 : i32
    %dma_wait3A_128 = tpu.memref_slice %arg11[%dma_wait3A_125, %dma_wait3A_126, %dma_wait3A_127] : memref<1x128x128xf32, #tpu.memory_space<vmem>> -> memref<1x128x128xf32, #tpu.memory_space<vmem>>
    %dma_wait3A_129 = tpu.memref_squeeze %dma_wait3A_128 : memref<1x128x128xf32, #tpu.memory_space<vmem>> -> memref<128x128xf32, #tpu.memory_space<vmem>>
    %dma_wait3A_130 = arith.constant 0 : i32
    %dma_wait3A_131 = tpu.memref_slice %arg6[%dma_wait3A_124, %dma_wait3A_130] : memref<104x128xi32, #tpu.memory_space<vmem>> -> memref<1x128xi32, #tpu.memory_space<vmem>>
    %dma_wait3A_132 = tpu.memref_squeeze %dma_wait3A_131 : memref<1x128xi32, #tpu.memory_space<vmem>> -> memref<128xi32, #tpu.memory_space<vmem>>
    %dma_wait3A_133 = arith.constant 0 : i32
    %dma_wait3A_134 = arith.constant 0 : i32
    %dma_wait3A_135 = tpu.memref_slice %arg4[%dma_wait3A_133, %dma_wait3A_134] : memref<1000000x128xf32, #tpu.memory_space<hbm>> -> memref<1000000x128xf32, #tpu.memory_space<hbm>>
    tpu.wait_indirect_dma semaphore(%arg15 : memref<!tpu.dma_semaphore, #tpu.memory_space<semaphore_mem>>) src(%dma_wait3A_135 : memref<1000000x128xf32, #tpu.memory_space<hbm>>) dst(%dma_wait3A_129 : memref<128x128xf32, #tpu.memory_space<vmem>>)
    %dma_start3A_136 = arith.constant 0 : i32
    %dma_start3A_137 = arith.constant 103 : i32
    %dma_start3A_138 = arith.constant 0 : i32
    %dma_start3A_139 = arith.constant 0 : i32
    %dma_start3A_140 = tpu.memref_slice %arg11[%dma_start3A_136, %dma_start3A_138, %dma_start3A_139] : memref<1x128x128xf32, #tpu.memory_space<vmem>> -> memref<1x128x128xf32, #tpu.memory_space<vmem>>
    %dma_start3A_141 = tpu.memref_squeeze %dma_start3A_140 : memref<1x128x128xf32, #tpu.memory_space<vmem>> -> memref<128x128xf32, #tpu.memory_space<vmem>>
    %dma_start3A_142 = arith.constant 0 : i32
    %dma_start3A_143 = tpu.memref_slice %arg7[%dma_start3A_137, %dma_start3A_142] : memref<104x128xi32, #tpu.memory_space<vmem>> -> memref<1x128xi32, #tpu.memory_space<vmem>>
    %dma_start3A_144 = tpu.memref_squeeze %dma_start3A_143 : memref<1x128xi32, #tpu.memory_space<vmem>> -> memref<128xi32, #tpu.memory_space<vmem>>
    %dma_start3A_145 = arith.constant 0 : i32
    %dma_start3A_146 = arith.constant 0 : i32
    %dma_start3A_147 = tpu.memref_slice %arg5[%dma_start3A_145, %dma_start3A_146] : memref<524288x128xf32, #tpu.memory_space<hbm>> -> memref<524288x128xf32, #tpu.memory_space<hbm>>
    tpu.enqueue_indirect_dma source(%dma_start3A_141 : memref<128x128xf32, #tpu.memory_space<vmem>>) target(%dma_start3A_147 : memref<524288x128xf32, #tpu.memory_space<hbm>>) offsets(%dma_start3A_144 : memref<128xi32, #tpu.memory_space<vmem>>) semaphore(%arg19 : memref<!tpu.dma_semaphore, #tpu.memory_space<semaphore_mem>>)
    %dma_wait3A_148 = arith.constant 0 : i32
    %dma_wait3A_149 = arith.constant 100 : i32
    %dma_wait3A_150 = arith.constant 0 : i32
    %dma_wait3A_151 = arith.constant 0 : i32
    %dma_wait3A_152 = tpu.memref_slice %arg8[%dma_wait3A_148, %dma_wait3A_150, %dma_wait3A_151] : memref<1x128x128xf32, #tpu.memory_space<vmem>> -> memref<1x128x128xf32, #tpu.memory_space<vmem>>
    %dma_wait3A_153 = tpu.memref_squeeze %dma_wait3A_152 : memref<1x128x128xf32, #tpu.memory_space<vmem>> -> memref<128x128xf32, #tpu.memory_space<vmem>>
    %dma_wait3A_154 = arith.constant 0 : i32
    %dma_wait3A_155 = tpu.memref_slice %arg7[%dma_wait3A_149, %dma_wait3A_154] : memref<104x128xi32, #tpu.memory_space<vmem>> -> memref<1x128xi32, #tpu.memory_space<vmem>>
    %dma_wait3A_156 = tpu.memref_squeeze %dma_wait3A_155 : memref<1x128xi32, #tpu.memory_space<vmem>> -> memref<128xi32, #tpu.memory_space<vmem>>
    %dma_wait3A_157 = arith.constant 0 : i32
    %dma_wait3A_158 = arith.constant 0 : i32
    %dma_wait3A_159 = tpu.memref_slice %arg5[%dma_wait3A_157, %dma_wait3A_158] : memref<524288x128xf32, #tpu.memory_space<hbm>> -> memref<524288x128xf32, #tpu.memory_space<hbm>>
    tpu.wait_indirect_dma semaphore(%arg16 : memref<!tpu.dma_semaphore, #tpu.memory_space<semaphore_mem>>) src(%dma_wait3A_153 : memref<128x128xf32, #tpu.memory_space<vmem>>) dst(%dma_wait3A_159 : memref<524288x128xf32, #tpu.memory_space<hbm>>)
    %dma_wait3A_160 = arith.constant 0 : i32
    %dma_wait3A_161 = arith.constant 101 : i32
    %dma_wait3A_162 = arith.constant 0 : i32
    %dma_wait3A_163 = arith.constant 0 : i32
    %dma_wait3A_164 = tpu.memref_slice %arg9[%dma_wait3A_160, %dma_wait3A_162, %dma_wait3A_163] : memref<1x128x128xf32, #tpu.memory_space<vmem>> -> memref<1x128x128xf32, #tpu.memory_space<vmem>>
    %dma_wait3A_165 = tpu.memref_squeeze %dma_wait3A_164 : memref<1x128x128xf32, #tpu.memory_space<vmem>> -> memref<128x128xf32, #tpu.memory_space<vmem>>
    %dma_wait3A_166 = arith.constant 0 : i32
    %dma_wait3A_167 = tpu.memref_slice %arg7[%dma_wait3A_161, %dma_wait3A_166] : memref<104x128xi32, #tpu.memory_space<vmem>> -> memref<1x128xi32, #tpu.memory_space<vmem>>
    %dma_wait3A_168 = tpu.memref_squeeze %dma_wait3A_167 : memref<1x128xi32, #tpu.memory_space<vmem>> -> memref<128xi32, #tpu.memory_space<vmem>>
    %dma_wait3A_169 = arith.constant 0 : i32
    %dma_wait3A_170 = arith.constant 0 : i32
    %dma_wait3A_171 = tpu.memref_slice %arg5[%dma_wait3A_169, %dma_wait3A_170] : memref<524288x128xf32, #tpu.memory_space<hbm>> -> memref<524288x128xf32, #tpu.memory_space<hbm>>
    tpu.wait_indirect_dma semaphore(%arg17 : memref<!tpu.dma_semaphore, #tpu.memory_space<semaphore_mem>>) src(%dma_wait3A_165 : memref<128x128xf32, #tpu.memory_space<vmem>>) dst(%dma_wait3A_171 : memref<524288x128xf32, #tpu.memory_space<hbm>>)
    %dma_wait3A_172 = arith.constant 0 : i32
    %dma_wait3A_173 = arith.constant 102 : i32
    %dma_wait3A_174 = arith.constant 0 : i32
    %dma_wait3A_175 = arith.constant 0 : i32
    %dma_wait3A_176 = tpu.memref_slice %arg10[%dma_wait3A_172, %dma_wait3A_174, %dma_wait3A_175] : memref<1x128x128xf32, #tpu.memory_space<vmem>> -> memref<1x128x128xf32, #tpu.memory_space<vmem>>
    %dma_wait3A_177 = tpu.memref_squeeze %dma_wait3A_176 : memref<1x128x128xf32, #tpu.memory_space<vmem>> -> memref<128x128xf32, #tpu.memory_space<vmem>>
    %dma_wait3A_178 = arith.constant 0 : i32
    %dma_wait3A_179 = tpu.memref_slice %arg7[%dma_wait3A_173, %dma_wait3A_178] : memref<104x128xi32, #tpu.memory_space<vmem>> -> memref<1x128xi32, #tpu.memory_space<vmem>>
    %dma_wait3A_180 = tpu.memref_squeeze %dma_wait3A_179 : memref<1x128xi32, #tpu.memory_space<vmem>> -> memref<128xi32, #tpu.memory_space<vmem>>
    %dma_wait3A_181 = arith.constant 0 : i32
    %dma_wait3A_182 = arith.constant 0 : i32
    %dma_wait3A_183 = tpu.memref_slice %arg5[%dma_wait3A_181, %dma_wait3A_182] : memref<524288x128xf32, #tpu.memory_space<hbm>> -> memref<524288x128xf32, #tpu.memory_space<hbm>>
    tpu.wait_indirect_dma semaphore(%arg18 : memref<!tpu.dma_semaphore, #tpu.memory_space<semaphore_mem>>) src(%dma_wait3A_177 : memref<128x128xf32, #tpu.memory_space<vmem>>) dst(%dma_wait3A_183 : memref<524288x128xf32, #tpu.memory_space<hbm>>)
    %dma_wait3A_184 = arith.constant 0 : i32
    %dma_wait3A_185 = arith.constant 103 : i32
    %dma_wait3A_186 = arith.constant 0 : i32
    %dma_wait3A_187 = arith.constant 0 : i32
    %dma_wait3A_188 = tpu.memref_slice %arg11[%dma_wait3A_184, %dma_wait3A_186, %dma_wait3A_187] : memref<1x128x128xf32, #tpu.memory_space<vmem>> -> memref<1x128x128xf32, #tpu.memory_space<vmem>>
    %dma_wait3A_189 = tpu.memref_squeeze %dma_wait3A_188 : memref<1x128x128xf32, #tpu.memory_space<vmem>> -> memref<128x128xf32, #tpu.memory_space<vmem>>
    %dma_wait3A_190 = arith.constant 0 : i32
    %dma_wait3A_191 = tpu.memref_slice %arg7[%dma_wait3A_185, %dma_wait3A_190] : memref<104x128xi32, #tpu.memory_space<vmem>> -> memref<1x128xi32, #tpu.memory_space<vmem>>
    %dma_wait3A_192 = tpu.memref_squeeze %dma_wait3A_191 : memref<1x128xi32, #tpu.memory_space<vmem>> -> memref<128xi32, #tpu.memory_space<vmem>>
    %dma_wait3A_193 = arith.constant 0 : i32
    %dma_wait3A_194 = arith.constant 0 : i32
    %dma_wait3A_195 = tpu.memref_slice %arg5[%dma_wait3A_193, %dma_wait3A_194] : memref<524288x128xf32, #tpu.memory_space<hbm>> -> memref<524288x128xf32, #tpu.memory_space<hbm>>
    tpu.wait_indirect_dma semaphore(%arg19 : memref<!tpu.dma_semaphore, #tpu.memory_space<semaphore_mem>>) src(%dma_wait3A_189 : memref<128x128xf32, #tpu.memory_space<vmem>>) dst(%dma_wait3A_195 : memref<524288x128xf32, #tpu.memory_space<hbm>>)
    return
  }
}

</mosaic_0001>

<sc_bundles>
// kernel: kernel.3.cloned.1.call-start
scs
__scs_entry_jumppad:
0x0: {  	(pc) =	sbr.rel $0x88, $3  }
0x1: {  	(tag) =	ssettag $0x0;
	lr =	simm.s32 $0x1  }
0x2: {  	[smem:$0x3F9F] =	sst lr;
	_ =	strace $0xD0000000  }
0x3: {  	_ = 	snop  }
0x4: {  	_ = 	snop  }
0x5: {  	_ = 	snop  }
0x6: {  	_ = 	snop  }
0x7: {  	_ = 	snop  }
__scs_overlays_trampoline_lowered:
0x8: {  	[smem:$0x3FAE] =	sst s0  }
0x9: {  	[smem:$0x3FAF] =	sst s1  }
0xa: {  	[smem:$0x3FB0] =	sst s2  }
0xb: {  	[smem:$0x3FB1] =	sst s3  }
0xc: {  	[smem:$0x3FB2] =	sst s4  }
0xd: {  	[smem:$0x3FB3] =	sst s5  }
0xe: {  	[smem:$0x3FB4] =	sst s6  }
0xf: {  	[smem:$0x3FB5] =	sst s7  }
0x10: {  	[smem:$0x3FB6] =	sst s8  }
0x11: {  	[smem:$0x3FB7] =	sst s9;
	s0 =	simm.s32 @!p0 $0x0  }
0x12: {  	s1 =	sld [smem:$0x3F9D];
	s0 =	simm.s32 @p0 $0x1  }
0x13: {  	[smem:$0x3FB8] =	sst s0;
	s0 =	simm.s32 @!p1 $0x0  }
0x14: {  	s2 =	sld [smem:$0x3F9C];
	s0 =	simm.s32 @p1 $0x1  }
0x15: {  	[smem:$0x3FB9] =	sst s0;
	s0 =	simm.s32 @!p2 $0x0  }
0x16: {  	s3 =	sld [smem:$0x3FDB];
	s0 =	simm.s32 @p2 $0x1  }
0x17: {  	s4 =	simm.s32 $0x1BF5;
	[smem:$0x3FBB] =	sst s0  }
0x18: {  	s0 =	sld [smem:$0x3F9E];
	_ =	swait.ge [sflag:s4], $0x0  }
0x19: {  	s7 =	sld [smem:$0x3F9F]  }
0x1a: {  	s8 =	sadd.s32 $0xFFFFE003, lr  }
0x1b: {  	s9 =	sadd.s32 $0xFFFFFEF7, lr;
	s5 =	simm.s32 $0xFFFFFFFF;
	p2 =	slt.u32 s8, $0xFFFFF086  }
0x1c: {  	p1 =	slt.u32 s9, $0xF7A;
	s5 =	simm.s32 @!p2 $0x0  }
0x1d: {  	s5 =	simm.s32 @p1 $0x1;
	p0 =	seq.s32 s7, s2  }
0x1e: {  	s7 =	smul.u32 @!p0 $0xF7A, s2;
	p2 =	seq.s32 @!p0 s5, $0x0  }
0x1f: {  	s9 =	smul.u32 $0xF7A, s1;
	s8 =	simm.s32 @!p0 $0x1BF5;
	p2 =	por !p2, p0  }
0x20: {  	[sflag:s8] =	ssyncset.s32 @!p0 $0xFFFFF086;
	s6 =	sadd.s32 @!p0 s3, s7;
	s7 =	simm.s32 @!p0 $0x108  }
0x21: {  	s3 =	sadd.s32 s3, s9;
	s6 =	sadd.s32 @!p0 $0x88, s6;
	s7 =	simm.s32 @p2 $0x1082  }
0x22: {  	[simem:s7], [sflag:s8] =	dma.local @!p0 [hbm:s6], $0xF7A  }
0x23: {  	s9 =	sor.u32 $0xD0000000, s2;
	s6 =	simm.s32 $0x108;
	_ =	swait.ge @!p0 [sflag:s8], $0x0  }
0x24: {  	s3 =	sadd.s32 $0x88, s3;
	s6 =	simm.s32 @!p1 $0x1082;
	[sflag:s4] =	ssyncset.s32 $0xFFFFF086  }
0x25: {  	[simem:s6], [sflag:s4] =	dma.local [hbm:s3], $0xF7A  }
0x26: {  	[smem:$0x3F9F] =	sst s1;
	(tag) =	ssettag s2;
	_ =	strace s9  }
0x27: {  	s1 =	sld [smem:$0x3FAF]  }
0x28: {  	s2 =	sld [smem:$0x3FB0]  }
0x29: {  	s4 =	sld [smem:$0x3FB2]  }
0x2a: {  	p0 =	seq.s32 s5, $0x0;
	s5 =	sld [smem:$0x3FB3]  }
0x2b: {  	s6 =	sld [smem:$0x3FB4]  }
0x2c: {  	s7 =	sld [smem:$0x3FB5]  }
0x2d: {  	s3 =	simm.s32 $0x108;
	s8 =	sld [smem:$0x3FB6]  }
0x2e: {  	s3 =	simm.s32 @!p0 $0x1082;
	s9 =	sld [smem:$0x3FB7]  }
0x2f: {  	lr =	sadd.s32 s0, s3;
	s0 =	sld [smem:$0x3FAE]  }
0x30: {  	s3 =	sld [smem:$0x3FB1]  }
0x31: {  	[smem:$0x3FBA] =	sst s10  }
0x32: {  	s10 =	sld [smem:$0x3FB8];
	_ =	sdelay $0x3  }
0x33: {  	p0 =	seq.s32 s10, $0x1;
	s10 =	sld [smem:$0x3FBA];
	_ =	sdelay $0x3  }
0x34: {  	[smem:$0x3FBA] =	sst s10  }
0x35: {  	s10 =	sld [smem:$0x3FB9];
	_ =	sdelay $0x3  }
0x36: {  	p1 =	seq.s32 s10, $0x1;
	s10 =	sld [smem:$0x3FBA];
	_ =	sdelay $0x3  }
0x37: {  	[smem:$0x3FBA] =	sst s10  }
0x38: {  	s10 =	sld [smem:$0x3FBB]  }
0x39: {  	_ = 	snop;
	(pc) =	sbr.ind lr, $3  }
0x3a: {  	_ = 	snop  }
0x3b: {  	_ = 	snop  }
0x3c: {  	p2 =	seq.s32 s10, $0x1;
	s10 =	sld [smem:$0x3FBA]  }
0x3d: {  	_ =	shalt  }
0x3e: {  	_ =	shalt  }
0x3f: {  	_ =	shalt  }
0x40: {  	_ =	shalt  }
0x41: {  	_ =	shalt  }
0x42: {  	_ =	shalt  }
0x43: {  	_ =	shalt  }
0x44: {  	_ =	shalt  }
0x45: {  	_ =	shalt  }
0x46: {  	_ =	shalt  }
0x47: {  	_ =	shalt  }
0x48: {  	_ =	shalt  }
0x49: {  	_ =	shalt  }
0x4a: {  	_ =	shalt  }
0x4b: {  	_ =	shalt  }
0x4c: {  	_ =	shalt  }
0x4d: {  	_ =	shalt  }
0x4e: {  	_ =	shalt  }
0x4f: {  	_ =	shalt  }
0x50: {  	_ =	shalt  }
0x51: {  	_ =	shalt  }
0x52: {  	_ =	shalt  }
0x53: {  	_ =	shalt  }
0x54: {  	_ =	shalt  }
0x55: {  	_ =	shalt  }
0x56: {  	_ =	shalt  }
0x57: {  	_ =	shalt  }
0x58: {  	_ =	shalt  }
0x59: {  	_ =	shalt  }
0x5a: {  	_ =	shalt  }
0x5b: {  	_ =	shalt  }
0x5c: {  	_ =	shalt  }
0x5d: {  	_ =	shalt  }
0x5e: {  	_ =	shalt  }
0x5f: {  	_ =	shalt  }
0x60: {  	_ =	shalt  }
0x61: {  	_ =	shalt  }
0x62: {  	_ =	shalt  }
0x63: {  	_ =	shalt  }
0x64: {  	_ =	shalt  }
0x65: {  	_ =	shalt  }
0x66: {  	_ =	shalt  }
0x67: {  	_ =	shalt  }
0x68: {  	_ =	shalt  }
0x69: {  	_ =	shalt  }
0x6a: {  	_ =	shalt  }
0x6b: {  	_ =	shalt  }
0x6c: {  	_ =	shalt  }
0x6d: {  	_ =	shalt  }
0x6e: {  	_ =	shalt  }
0x6f: {  	_ =	shalt  }
0x70: {  	_ =	shalt  }
0x71: {  	_ =	shalt  }
0x72: {  	_ =	shalt  }
0x73: {  	_ =	shalt  }
0x74: {  	_ =	shalt  }
0x75: {  	_ =	shalt  }
0x76: {  	_ =	shalt  }
0x77: {  	_ =	shalt  }
0x78: {  	_ =	shalt  }
0x79: {  	_ =	shalt  }
0x7a: {  	_ =	shalt  }
0x7b: {  	_ =	shalt  }
0x7c: {  	_ =	shalt  }
0x7d: {  	_ =	shalt  }
0x7e: {  	_ =	shalt  }
0x7f: {  	_ =	shalt  }
0x80: {  	_ =	shalt  }
0x81: {  	_ =	shalt  }
0x82: {  	_ =	shalt  }
0x83: {  	_ =	shalt  }
0x84: {  	_ =	shalt  }
0x85: {  	_ =	shalt  }
0x86: {  	_ =	shalt  }
0x87: {  	_ =	shalt  }
.Lfunc_end0:
.L_simem_size_0:
called_computation.1_lowered:
.L_overlay_start_0:
0x88: {  	s2 =	sld [smem:$0x3FD9]  }
0x89: {  	s3 =	sld [smem:$0x3FFE];
	_ =	sdelay $0x1  }
0x8a: {  	s1 =	srdreg.scid  }
0x8b: {  	s0 =	sand.u32 $0x1, s1  }
0x8c: {  	s17 =	sshll.u32 s0, $0xA;
	s2 =	sadd.s32 s3, s2  }
0x8d: {  	s2 =	sadd.s32 s2, s17  }
0x8e: {  	[smem:$0x3FC6] =	sst s2  }
0x8f: {  	_ = 	snop  }
0x90: {  	s2 =	sld [smem:$0x3FD0];
	(tm) =	ssettm $0x1  }
0x91: {  	s18 =	sld [smem:$0x3FFB];
	_ =	sdelay $0x3  }
0x92: {  	_ =	strace s18  }
0x93: {  	s3 =	sld [smem:$0x3FFC];
	_ =	sdelay $0x3  }
0x94: {  	_ =	strace s3  }
0x95: {  	s3 =	sld [smem:$0x3FFD];
	_ =	sdelay $0x3  }
0x96: {  	_ =	strace s3  }
0x97: {  	_ =	strace $0x8FFFFFFF  }
0x98: {  	s19 =	sld [smem:$0x3FDB];
	_ =	sdelay $0x1  }
0x99: {  	s4 =	simm.s32 $_scs_section_size  }
0x9a: {  	s5 =	simm.s32 $_size__tile_overlayer_lowered;
	s6 =	simm.s32 $_tile_overlayer_lowered  }
0x9b: {  	s22 =	simm.s32 $0x1BFF;
	s21 =	sshll.u32 s6, $0x1;
	s3 =	sadd.s32 s4, s19  }
0x9c: {  	s7 =	simm.s32 $0x0;
	s20 =	sshll.u32 s5, $0x1;
	s5 =	sadd.s32 s21, s3  }
0x9d: {  	[timem:s7], [sflag:s22] =	dma.local [hbm:s5], s20  }
0x9e: {  	_ =	swait.ge [sflag:s22], s20  }
0x9f: {  	s4 =	ssub.s32 $0x0, s20;
	[sflag:s22] =	ssyncset.done $0x0  }
0xa0: {  	[sflag:s22] =	ssyncadd.s32 s4;
	_ =	sdelay $0x1  }
0xa1: {  	s23 =	simm.s32 $0x1B8B  }
0xa2: {  	_ =	swait.ge [sflag:s23], $0x1  }
0xa3: {  	[sflag:s23] =	ssyncset.done $0x0  }
0xa4: {  	s25 =	simm.s32 $0x1B8E;
	s24 =	sld [smem:$0x3FFE];
	[sflag:s23] =	ssyncadd.s32 $0xFFFFFFFF  }
0xa5: {  	s26 =	simm.s32 $execute0_lowered;
	[smem:$0x3FD2] =	sst s25  }
0xa6: {  	s5 =	sshll.u32 s26, $0x1;
	_ =	strace $0x80000046;
	[dreg:$0x1] =	wrdreg $0xFFFFFFFF  }
0xa7: {  	s28 =	simm.s32 $_size_execute0_lowered;
	s3 =	sadd.s32 s3, s5;
	[dreg:$0x0] =	wrdreg $0x0  }
0xa8: {  	s5 =	sshll.u32 s28, $0x1;
	[dreg:$0x2] =	wrdreg s3  }
0xa9: {  	[dreg:$0x3] =	wrdreg s5  }
0xaa: {  	[dreg:$0x4] =	wrdreg $0xC0  }
0xab: {  	_ =	task [dreg:s7], $0x5FFFF  }
0xac: {  	[dreg:$0x1] =	wrdreg $0xFFFFFFFF  }
0xad: {  	[dreg:$0x0] =	wrdreg $0x60  }
0xae: {  	[dreg:$0x2] =	wrdreg s2  }
0xaf: {  	[dreg:$0x3] =	wrdreg s24  }
0xb0: {  	[dreg:$0x4] =	wrdreg $0x9  }
0xb1: {  	_ =	task.clear_ibuf [dreg:s7], $0x5FFFF;
	_ =	strace $0x90000046  }
0xb2: {  	s29 =	simm.s32 $0x9;
	_ =	strace $0x80000048  }
0xb3: {  	_ =	swait.ge [sflag:s29], $0x1  }
0xb4: {  	[sflag:s29] =	ssyncadd.s32 $0xFFFFFFFF  }
0xb5: {  	_ =	strace $0x90000048  }
0xb6: {  	_ =	sfence  }
0xb7: {  	s30 =	sld [smem:$0x0];
	_ =	sdelay $0x2  }
0xb8: {  	s31 =	sshll.u32 s1, $0xD;
	s1 =	sshrl.u32 s1, $0x2  }
0xb9: {  	s3 =	sand.u32 $0x4000, s31;
	s1 =	sadd.s32 s1, s30  }
0xba: {  	s0 =	sor.u32 s3, s0;
	s1 =	sshll.u32 s1, $0x11  }
0xbb: {  	s0 =	sor.u32 s1, s0  }
0xbc: {  	s0 =	sadd.s32 $0x8F2B, s0  }
0xbd: {  	[sflag:s0] =	ssyncadd.remote.s32 $0x1  }
0xbe: {  	_ =	sfence.sel $0xFFFF  }
0xbf: {  	[dreg:$0x0] =	wrdreg $0xFFFFFFFF;
	(pc) =	sbr.abs _section_cstart, $3  }
0xc0: {  	[dreg:$0x1] =	wrdreg $0xFFFFFFFF  }
0xc1: {  	_ =	task.clear_ibuf [dreg:s7], $0x2FFFF;
	_ =	strace $0x9FFFFFFF  }
0xc2: {  	(tm) =	ssettm $0x7FFFFFFF  }
0xc3: {  	_ =	shalt  }
tec
execute0_lowered:
.L_overlay_start_1:
0x0: {  	(tag) =	ssettag $0x1  }
0x1: {  	s1 =	rddreg [dreg:$0x0]  }
0x2: {  	s2 =	srdreg.scid;
	s0 =	stileid.u32  }
0x3: {  	s4 =	rddreg [dreg:$0x1];
	s9 =	simm.s32 $0x3400;
	s10 =	simm.s32 $0x80  }
0x4: {  	s11 =	simm.s32 $0x6800;
	s12 =	simm.s32 $0xA800;
	s13 =	simm.s32 $0x100  }
0x5: {  	s14 =	simm.s32 $0xE800;
	s15 =	simm.s32 $0x180;
	s16 =	simm.s32 $0x12800  }
0x6: {  	s17 =	simm.s32 $0x1;
	s18 =	simm.s32 $0x2;
	s19 =	simm.s32 $0x3  }
0x7: {  	s20 =	simm.s32 $0x4;
	s21 =	simm.s32 $0x5;
	s22 =	simm.s32 $0x6  }
0x8: {  	s23 =	simm.s32 $0x7;
	s24 =	simm.s32 $0x8;
	s25 =	simm.s32 $0x6600  }
0x9: {  	s26 =	simm.s32 $0x6680;
	s28 =	simm.s32 $0x6700;
	s29 =	simm.s32 $0x6780  }
0xa: {  	s30 =	simm.s32 $0x0;
	s3 =	sand.u32 $0x1, s2;
	s5 =	sshll.u32 s0, $0x1  }
0xb: {  	s2 =	simm.s32 $0x0;
	s5 =	sor.u32 s3, s5;
	s6 =	ssub.s32 $0x2, s3  }
0xc: {  	[smem:$0x7FF] =	sst s2;
	s5 =	smul.u32 $0x680, s5;
	s8 =	sshrl.u32 s6, $0x1  }
0xd: {  	s3 =	sadd.s32 $0xF43000, s4;
	_ =	strace $0x80000047;
	s8 =	ssub.s32 s6, s8  }
0xe: {  	s7 =	sadd.s32 s5, s4;
	s4 =	sadd.s32 $0xDC00, s4;
	s5 =	sadd.s32 s1, s5  }
0xf: {  	s6 =	sadd.s32 $0xC00, s7;
	s7 =	smax.u32 s8, $0x1;
	s8 =	simm.s32 $0x9  }
.LBB2_1:
0x10: {  	[tilespmem:s2], [sflag:$0x9] =	stream.linear.gather [hbm4b:s5+s2], $0x3400, $0x38;
	[tilespmem:$0x16800] =	vst v63  }
0x11: {  	_ =	swait.ge [sflag:s8], $0x3400  }
0x12: {  	[sflag:s8] =	ssyncset.done $0x0  }
0x13: {  	[sflag:s8] =	ssyncadd.s32 $0xFFFFCC00  }
0x14: {  	[tilespmem:s9], [sflag:$0x9] =	stream.linear.gather [hbm4b:s6+s2], $0x3400, $0x38;
	[tilespmem:$0x16800] =	vst v63  }
0x15: {  	_ =	swait.ge [sflag:s8], $0x3400  }
0x16: {  	[sflag:s8] =	ssyncset.done $0x0  }
0x17: {  	[sflag:s8] =	ssyncadd.s32 $0xFFFFCC00  }
0x18: {  	[tilespmem:s11], [sflag:$0x1] =	stream.indirect.gather [hbm4b:s3+s10], $0x80, s2, s10, $0xb8;
	[tilespmem:$0x16800] =	vst v63  }
0x19: {  	_ = 	snop  }
0x1a: {  	[tilespmem:s12], [sflag:$0x2] =	stream.indirect.gather [hbm4b:s3+s10], $0x80, s10, s10, $0xb8;
	[tilespmem:$0x16800] =	vst v63  }
0x1b: {  	_ = 	snop  }
0x1c: {  	[tilespmem:s14], [sflag:$0x3] =	stream.indirect.gather [hbm4b:s3+s10], $0x80, s13, s10, $0xb8;
	[tilespmem:$0x16800] =	vst v63  }
0x1d: {  	_ = 	snop  }
0x1e: {  	[tilespmem:s16], [sflag:$0x4] =	stream.indirect.gather [hbm4b:s3+s10], $0x80, s15, s10, $0xb8;
	[tilespmem:$0x16800] =	vst v63  }
0x1f: {  	_ =	swait.ge [sflag:s17], $0x4000  }
0x20: {  	[sflag:s17] =	ssyncset.done $0x0  }
0x21: {  	s1 =	simm.s32 $0x3400;
	[sflag:s17] =	ssyncadd.s32 $0xFFFFC000  }
0x22: {  	[hbm4b:s4+s10] =	stream.indirect.scatter [tilespmem:s11], [sflag:$0x5], $0x80, s1, s10, $0xb8;
	[tilespmem:$0x16800] =	vst v63  }
0x23: {  	_ =	swait.ge [sflag:s18], $0x4000  }
0x24: {  	[sflag:s18] =	ssyncset.done $0x0  }
0x25: {  	s0 =	simm.s32 $0x3480;
	[sflag:s18] =	ssyncadd.s32 $0xFFFFC000  }
0x26: {  	[hbm4b:s4+s10] =	stream.indirect.scatter [tilespmem:s12], [sflag:$0x6], $0x80, s0, s10, $0xb8;
	[tilespmem:$0x16800] =	vst v63  }
0x27: {  	_ =	swait.ge [sflag:s19], $0x4000  }
0x28: {  	[sflag:s19] =	ssyncset.done $0x0  }
0x29: {  	s0 =	simm.s32 $0x3500;
	[sflag:s19] =	ssyncadd.s32 $0xFFFFC000  }
0x2a: {  	[hbm4b:s4+s10] =	stream.indirect.scatter [tilespmem:s14], [sflag:$0x7], $0x80, s0, s10, $0xb8;
	[tilespmem:$0x16800] =	vst v63  }
0x2b: {  	_ =	swait.ge [sflag:s20], $0x4000  }
0x2c: {  	[sflag:s20] =	ssyncset.done $0x0  }
0x2d: {  	s0 =	simm.s32 $0x3580;
	[sflag:s20] =	ssyncadd.s32 $0xFFFFC000  }
0x2e: {  	[hbm4b:s4+s10] =	stream.indirect.scatter [tilespmem:s16], [sflag:$0x8], $0x80, s0, s10, $0xb8;
	[tilespmem:$0x16800] =	vst v63  }
0x2f: {  	_ =	swait.ge [sflag:s21], $0x4000  }
0x30: {  	[sflag:s21] =	ssyncset.done $0x0  }
0x31: {  	s0 =	simm.s32 $0x200;
	[sflag:s21] =	ssyncadd.s32 $0xFFFFC000  }
0x32: {  	[tilespmem:s11], [sflag:$0x1] =	stream.indirect.gather [hbm4b:s3+s10], $0x80, s0, s10, $0xb8;
	[tilespmem:$0x16800] =	vst v63  }
0x33: {  	_ =	swait.ge [sflag:s22], $0x4000  }
0x34: {  	[sflag:s22] =	ssyncset.done $0x0  }
0x35: {  	s0 =	simm.s32 $0x280;
	[sflag:s22] =	ssyncadd.s32 $0xFFFFC000  }
0x36: {  	[tilespmem:s12], [sflag:$0x2] =	stream.indirect.gather [hbm4b:s3+s10], $0x80, s0, s10, $0xb8;
	[tilespmem:$0x16800] =	vst v63  }
0x37: {  	_ =	swait.ge [sflag:s23], $0x4000  }
0x38: {  	[sflag:s23] =	ssyncset.done $0x0  }
0x39: {  	s0 =	simm.s32 $0x300;
	[sflag:s23] =	ssyncadd.s32 $0xFFFFC000  }
0x3a: {  	[tilespmem:s14], [sflag:$0x3] =	stream.indirect.gather [hbm4b:s3+s10], $0x80, s0, s10, $0xb8;
	[tilespmem:$0x16800] =	vst v63  }
0x3b: {  	_ =	swait.ge [sflag:s24], $0x4000  }
0x3c: {  	[sflag:s24] =	ssyncset.done $0x0  }
0x3d: {  	s31 =	simm.s32 $0x800;
	s1 =	simm.s32 $0x380;
	[sflag:s24] =	ssyncadd.s32 $0xFFFFC000  }
.LBB2_2:
0x3e: {  	[tilespmem:s16], [sflag:$0x4] =	stream.indirect.gather [hbm4b:s3+s10], $0x80, s1, s10, $0xb8;
	[tilespmem:$0x16800] =	vst v63  }
0x3f: {  	s1 =	smov.u32 s31  }
0x40: {  	p0 =	sne.s32 s31, $0xC000;
	s31 =	sadd.s32 $0x800, s31;
	_ =	swait.ge [sflag:s17], $0x4000  }
0x41: {  	s1 =	sshra.s32 s1, $0x2;
	[sflag:s17] =	ssyncset.done $0x0  }
0x42: {  	s0 =	sadd.s32 $0x3400, s1;
	[sflag:s17] =	ssyncadd.s32 $0xFFFFC000  }
0x43: {  	[hbm4b:s4+s10] =	stream.indirect.scatter [tilespmem:s11], [sflag:$0x5], $0x80, s0, s10, $0xb8;
	[tilespmem:$0x16800] =	vst v63  }
0x44: {  	_ =	swait.ge [sflag:s18], $0x4000  }
0x45: {  	[sflag:s18] =	ssyncset.done $0x0  }
0x46: {  	s0 =	sadd.s32 $0x3480, s1;
	[sflag:s18] =	ssyncadd.s32 $0xFFFFC000  }
0x47: {  	[hbm4b:s4+s10] =	stream.indirect.scatter [tilespmem:s12], [sflag:$0x6], $0x80, s0, s10, $0xb8;
	[tilespmem:$0x16800] =	vst v63  }
0x48: {  	_ =	swait.ge [sflag:s19], $0x4000  }
0x49: {  	[sflag:s19] =	ssyncset.done $0x0  }
0x4a: {  	s0 =	sadd.s32 $0x3500, s1;
	[sflag:s19] =	ssyncadd.s32 $0xFFFFC000  }
0x4b: {  	[hbm4b:s4+s10] =	stream.indirect.scatter [tilespmem:s14], [sflag:$0x7], $0x80, s0, s10, $0xb8;
	[tilespmem:$0x16800] =	vst v63  }
0x4c: {  	_ =	swait.ge [sflag:s20], $0x4000  }
0x4d: {  	[sflag:s20] =	ssyncset.done $0x0  }
0x4e: {  	s0 =	sadd.s32 $0x3580, s1;
	[sflag:s20] =	ssyncadd.s32 $0xFFFFC000  }
0x4f: {  	[hbm4b:s4+s10] =	stream.indirect.scatter [tilespmem:s16], [sflag:$0x8], $0x80, s0, s10, $0xb8;
	[tilespmem:$0x16800] =	vst v63  }
0x50: {  	_ =	swait.ge [sflag:s21], $0x4000  }
0x51: {  	[sflag:s21] =	ssyncset.done $0x0  }
0x52: {  	s0 =	sadd.s32 $0x200, s1;
	[sflag:s21] =	ssyncadd.s32 $0xFFFFC000  }
0x53: {  	[tilespmem:s11], [sflag:$0x1] =	stream.indirect.gather [hbm4b:s3+s10], $0x80, s0, s10, $0xb8;
	[tilespmem:$0x16800] =	vst v63  }
0x54: {  	_ =	swait.ge [sflag:s22], $0x4000  }
0x55: {  	[sflag:s22] =	ssyncset.done $0x0  }
0x56: {  	s0 =	sadd.s32 $0x280, s1;
	[sflag:s22] =	ssyncadd.s32 $0xFFFFC000  }
0x57: {  	[tilespmem:s12], [sflag:$0x2] =	stream.indirect.gather [hbm4b:s3+s10], $0x80, s0, s10, $0xb8;
	[tilespmem:$0x16800] =	vst v63  }
0x58: {  	_ =	swait.ge [sflag:s23], $0x4000  }
0x59: {  	[sflag:s23] =	ssyncset.done $0x0  }
.Ltmp0:
0x5a: {  	s0 =	sadd.s32 $0x300, s1;
	[sflag:s23] =	ssyncadd.s32 $0xFFFFC000;
	(pc) =	sbr.rel @p0 .LBB2_2-.Ltmp0, $4  }
0x5b: {  	[tilespmem:s14], [sflag:$0x3] =	stream.indirect.gather [hbm4b:s3+s10], $0x80, s0, s10, $0xb8;
	[tilespmem:$0x16800] =	vst v63  }
0x5c: {  	_ =	swait.ge [sflag:s24], $0x4000  }
0x5d: {  	[sflag:s24] =	ssyncset.done $0x0  }
0x5e: {  	s1 =	sadd.s32 $0x380, s1;
	[sflag:s24] =	ssyncadd.s32 $0xFFFFC000  }
0x5f: {  	[tilespmem:s16], [sflag:$0x4] =	stream.indirect.gather [hbm4b:s3+s10], $0x80, s1, s10, $0xb8;
	[tilespmem:$0x16800] =	vst v63  }
0x60: {  	_ =	swait.ge [sflag:s17], $0x4000  }
0x61: {  	[sflag:s17] =	ssyncset.done $0x0  }
0x62: {  	[sflag:s17] =	ssyncadd.s32 $0xFFFFC000  }
0x63: {  	[hbm4b:s4+s10] =	stream.indirect.scatter [tilespmem:s11], [sflag:$0x5], $0x80, s25, s10, $0xb8;
	[tilespmem:$0x16800] =	vst v63  }
0x64: {  	_ =	swait.ge [sflag:s18], $0x4000  }
0x65: {  	[sflag:s18] =	ssyncset.done $0x0  }
0x66: {  	[sflag:s18] =	ssyncadd.s32 $0xFFFFC000  }
0x67: {  	[hbm4b:s4+s10] =	stream.indirect.scatter [tilespmem:s12], [sflag:$0x6], $0x80, s26, s10, $0xb8;
	[tilespmem:$0x16800] =	vst v63  }
0x68: {  	_ =	swait.ge [sflag:s19], $0x4000  }
0x69: {  	[sflag:s19] =	ssyncset.done $0x0  }
0x6a: {  	[sflag:s19] =	ssyncadd.s32 $0xFFFFC000  }
0x6b: {  	[hbm4b:s4+s10] =	stream.indirect.scatter [tilespmem:s14], [sflag:$0x7], $0x80, s28, s10, $0xb8;
	[tilespmem:$0x16800] =	vst v63  }
0x6c: {  	_ =	swait.ge [sflag:s20], $0x4000  }
0x6d: {  	[sflag:s20] =	ssyncset.done $0x0  }
0x6e: {  	[sflag:s20] =	ssyncadd.s32 $0xFFFFC000  }
0x6f: {  	[hbm4b:s4+s10] =	stream.indirect.scatter [tilespmem:s16], [sflag:$0x8], $0x80, s29, s10, $0xb8;
	[tilespmem:$0x16800] =	vst v63  }
0x70: {  	_ =	swait.ge [sflag:s21], $0x4000  }
0x71: {  	[sflag:s21] =	ssyncset.done $0x0  }
0x72: {  	[sflag:s21] =	ssyncadd.s32 $0xFFFFC000  }
0x73: {  	_ =	swait.ge [sflag:s22], $0x4000  }
0x74: {  	[sflag:s22] =	ssyncset.done $0x0  }
0x75: {  	s30 =	sadd.s32 $0x1, s30;
	[sflag:s22] =	ssyncadd.s32 $0xFFFFC000  }
0x76: {  	p0 =	sne.s32 s30, s7;
	_ =	swait.ge [sflag:s23], $0x4000  }
.Ltmp1:
0x77: {  	[sflag:s23] =	ssyncset.done $0x0;
	(pc) =	sbr.rel @p0 .LBB2_1-.Ltmp1, $4  }
0x78: {  	[sflag:s23] =	ssyncadd.s32 $0xFFFFC000  }
0x79: {  	_ =	swait.ge [sflag:s24], $0x4000  }
0x7a: {  	[sflag:s24] =	ssyncset.done $0x0  }
0x7b: {  	[sflag:s24] =	ssyncadd.s32 $0xFFFFC000  }
0x7c: {  	_ =	sfence.sel $0x180000  }
0x7d: {  	[bflag:$0x0] =	sbarrier.arrive $0xFFFF  }
0x7e: {  	_ =	strace $0x90000047  }
0x7f: {  	s0 =	stileid.u32;
	[bflag:$0x2] =	sbarrier.arrive $0xFFFF  }
0x80: {  	p0 =	sne.s32 s0, $0x0;
	s0 =	rddreg [dreg:$0x2]  }
0x81: {  	s0 =	sadd.s32 @!p0 $0x100000, s0  }
0x82: {  	[sflag:s0] =	ssyncadd.tile.s32 @!p0 $0x1;
	_ =	shalt  }
.Lfunc_end2:
_tile_overlayer_lowered:
.L_overlay_start_2:
0x83: {  	(tag) =	ssettag $0x2  }
0x84: {  	s0 =	rddreg [dreg:$0x0];
	s2 =	stileid.u32  }
0x85: {  	s1 =	rddreg [dreg:$0x1];
	p0 =	sne.s32 s2, $0x0  }
0x86: {  	s3 =	rddreg [dreg:$0x2];
	[bflag:$0x3] =	sbarrier.arrive $0xFFFF;
	s2 =	simm.s32 @!p0 $0x1C09  }
0x87: {  	[timem:s3], [sflag:s2] =	dma.local @!p0 [hbm:s0], s1  }
0x88: {  	s0 =	simm.s32 @!p0 $0x9  }
0x89: {  	_ =	swait.ge @!p0 [sflag:s0], s1  }
0x8a: {  	s1 =	ssub.s32 @!p0 $0x0, s1;
	[sflag:s0] =	ssyncset.done @!p0 $0x0  }
0x8b: {  	[sflag:s0] =	ssyncadd.s32 @!p0 s1  }
0x8c: {  	[bflag:$0x3] =	sbarrier.arrive $0xFFFF  }
0x8d: {  	_ =	shalt  }

// kernel: sparse-core-data-format-call.cloned.1.call-start
scs
called_computation_lowered:
.L_overlay_start_0:
0x0: {  	s2 =	sld [smem:$0x3FD9]  }
0x1: {  	s3 =	sld [smem:$0x3FFE];
	_ =	sdelay $0x1  }
0x2: {  	s1 =	srdreg.scid  }
0x3: {  	s0 =	sand.u32 $0x1, s1  }
0x4: {  	s18 =	sshll.u32 s0, $0xA;
	s2 =	sadd.s32 s3, s2  }
0x5: {  	s2 =	sadd.s32 s2, s18  }
0x6: {  	[smem:$0x3FC6] =	sst s2  }
0x7: {  	_ = 	snop  }
0x8: {  	s2 =	sld [smem:$0x3FD0];
	(tm) =	ssettm $0x1  }
0x9: {  	s19 =	sld [smem:$0x3FFB];
	_ =	sdelay $0x3  }
0xa: {  	_ =	strace s19  }
0xb: {  	s3 =	sld [smem:$0x3FFC];
	_ =	sdelay $0x3  }
0xc: {  	_ =	strace s3  }
0xd: {  	s3 =	sld [smem:$0x3FFD];
	_ =	sdelay $0x3  }
0xe: {  	_ =	strace s3  }
0xf: {  	_ =	strace $0x8FFFFFFF  }
0x10: {  	s20 =	sld [smem:$0x3FDB];
	_ =	sdelay $0x1  }
0x11: {  	s4 =	simm.s32 $_scs_section_size  }
0x12: {  	s5 =	simm.s32 $_size__tile_overlayer_lowered;
	s6 =	simm.s32 $_tile_overlayer_lowered  }
0x13: {  	s23 =	simm.s32 $0x1BFF;
	s22 =	sshll.u32 s6, $0x1;
	s3 =	sadd.s32 s4, s20  }
0x14: {  	s7 =	simm.s32 $0x0;
	s21 =	sshll.u32 s5, $0x1;
	s5 =	sadd.s32 s22, s3  }
0x15: {  	[timem:s7], [sflag:s23] =	dma.local [hbm:s5], s21  }
0x16: {  	_ =	swait.ge [sflag:s23], s21  }
0x17: {  	s4 =	ssub.s32 $0x0, s21;
	[sflag:s23] =	ssyncset.done $0x0  }
0x18: {  	[sflag:s23] =	ssyncadd.s32 s4;
	_ =	sdelay $0x1  }
0x19: {  	s24 =	simm.s32 $0x1B8B  }
0x1a: {  	_ =	swait.ge [sflag:s24], $0x1  }
0x1b: {  	[sflag:s24] =	ssyncset.done $0x0  }
0x1c: {  	s26 =	simm.s32 $0x1B8E;
	s25 =	sld [smem:$0x3FFE];
	[sflag:s24] =	ssyncadd.s32 $0xFFFFFFFF  }
0x1d: {  	s27 =	simm.s32 $execute0_lowered;
	[smem:$0x3FD2] =	sst s26  }
0x1e: {  	s5 =	sshll.u32 s27, $0x1;
	_ =	strace $0x80000049;
	[dreg:$0x1] =	wrdreg $0xFFFFFFFF  }
0x1f: {  	s28 =	simm.s32 $_size_execute0_lowered;
	s3 =	sadd.s32 s3, s5;
	[dreg:$0x0] =	wrdreg $0x0  }
0x20: {  	s5 =	sshll.u32 s28, $0x1;
	[dreg:$0x2] =	wrdreg s3  }
0x21: {  	[dreg:$0x3] =	wrdreg s5  }
0x22: {  	[dreg:$0x4] =	wrdreg $0xC0  }
0x23: {  	_ =	task [dreg:s7], $0x5FFFF  }
0x24: {  	[dreg:$0x1] =	wrdreg $0xFFFFFFFF  }
0x25: {  	[dreg:$0x0] =	wrdreg $0x60  }
0x26: {  	[dreg:$0x2] =	wrdreg s25  }
0x27: {  	[dreg:$0x3] =	wrdreg s2  }
0x28: {  	[dreg:$0x4] =	wrdreg $0x9  }
0x29: {  	_ =	task.clear_ibuf [dreg:s7], $0x5FFFF;
	_ =	strace $0x90000049  }
0x2a: {  	s29 =	simm.s32 $0x9;
	_ =	strace $0x8000004B  }
0x2b: {  	_ =	swait.ge [sflag:s29], $0x1  }
0x2c: {  	[sflag:s29] =	ssyncadd.s32 $0xFFFFFFFF  }
0x2d: {  	_ =	strace $0x9000004B  }
0x2e: {  	_ =	sfence  }
0x2f: {  	s30 =	sld [smem:$0x0];
	_ =	sdelay $0x2  }
0x30: {  	s31 =	sshll.u32 s1, $0xD;
	s1 =	sshrl.u32 s1, $0x2  }
0x31: {  	s3 =	sand.u32 $0x4000, s31;
	s1 =	sadd.s32 s1, s30  }
0x32: {  	s0 =	sor.u32 s3, s0;
	s1 =	sshll.u32 s1, $0x11  }
0x33: {  	s0 =	sor.u32 s1, s0  }
0x34: {  	s0 =	sadd.s32 $0x8F2B, s0  }
0x35: {  	[sflag:s0] =	ssyncadd.remote.s32 $0x1  }
0x36: {  	_ =	sfence.sel $0xFFFF  }
0x37: {  	[dreg:$0x0] =	wrdreg $0xFFFFFFFF;
	(pc) =	sbr.abs _section_cstart, $3  }
0x38: {  	[dreg:$0x1] =	wrdreg $0xFFFFFFFF  }
0x39: {  	_ =	task.clear_ibuf [dreg:s7], $0x2FFFF;
	_ =	strace $0x9FFFFFFF  }
0x3a: {  	(tm) =	ssettm $0x7FFFFFFF  }
0x3b: {  	_ =	shalt  }
tec
execute0_lowered:
.L_overlay_start_1:
0x0: {  	(tag) =	ssettag $0x1  }
0x1: {  	s0 =	srdreg.scid  }
0x2: {  	s1 =	sshll.u32 s0, $0x4  }
0x3: {  	s0 =	stileid.u32;
	s1 =	sand.u32 $0x10, s1  }
0x4: {  	s1 =	sor.u32 s0, s1  }
0x5: {  	s6 =	rddreg [dreg:$0x0];
	s4 =	simm.s32 $0x1;
	s2 =	sshll.u32 s1, $0x7  }
0x6: {  	s7 =	simm.s32 $0x2;
	s12 =	simm.s32 $0x0;
	s1 =	ssub.s32 $0x4000, s2  }
0x7: {  	s8 =	simm.s32 $0x20000;
	s13 =	simm.s32 $0x0;
	s3 =	sand.u32 $0xF80, s1  }
0x8: {  	s9 =	simm.s32 $0x0;
	s5 =	sshrl.u32 s1, $0xC;
	p0 =	sne.s32 s3, $0x0  }
.Ltmp0:
0x9: {  	s1 =	rddreg [dreg:$0x2];
	s4 =	simm.s32 @!p0 $0x0;
	(pc) =	sbr.rel .LBB1_1-.Ltmp0, $4  }
0xa: {  	s11 =	simm.s32 $0x0;
	s3 =	rddreg [dreg:$0x1];
	s5 =	sadd.s32 s4, s5  }
0xb: {  	_ =	strace $0x8000004A;
	s4 =	simm.s32 $0x1;
	s5 =	smul.u32 $0x1A, s5  }
0xc: {  	s6 =	sadd.s32 $0xDC00, s6;
	s10 =	smov.u32 s2;
	[sflag:s4] =	ssyncpa.u1 $0x0  }
0xd: {  	p0 =	por $0x0, $0x0;
	[sflag:s7] =	ssyncpa.u1 $0x0;
	s7 =	sor.u32 $0x1, s5  }
.LBB1_4:
0xe: {  	s16 =	sshll.u32 s13, $0x3;
	s17 =	sand.u32 $0x78, s13  }
0xf: {  	s30 =	sand.u32 $0x1F800, s13;
	s12 =	sshll.u32 s12, $0x11;
	s16 =	sand.u32 $0x3C00, s16  }
0x10: {  	[tilespmem:s15+$0x810 ss:$0x81] =	vst.msk $0xffff, v2;
	s31 =	sand.u32 $0x7, s13;
	s16 =	sor.u32 s17, s16;
	s17 =	sadd.s32 s3, s30  }
0x11: {  	[tilespmem:s15+$0x1020 ss:$0x81] =	vst.msk $0xffff, v0;
	s13 =	sshll.u32 s31, $0x12;
	s12 =	sadd.s32 s12, s17;
	s16 =	sshrl.u32 s16, $0x3  }
0x12: {  	[tilespmem:s15+$0x0 ss:$0x81] =	vst.msk $0xffff, v1;
	s13 =	sor.u32 $0x400, s13;
	s12 =	sadd.s32 s16, s12  }
0x13: {  	[hbm4b:s12+s13] =	stream.strided.scatter [tilespmem:s14], [sflag:$0x2], $0x2000, s8, s13, $0x20;
	[tilespmem:$0x8080] =	vst v63  }
.LBB1_5:
0x14: {  	s14 =	sadd.s32 $0x1, s9  }
0x15: {  	s12 =	sadd.s32 $0x1000, s10;
	s16 =	smov.u32 s10;
	p2 =	sgt.s32 s14, $0x19  }
0x16: {  	s16 =	smov.u32 @p2 s12  }
0x17: {  	s14 =	simm.s32 @p2 $0x0;
	p2 =	sgt.s32 s16, $0x3FFF  }
0x18: {  	s16 =	smov.u32 @p2 s2;
	p2 =	sne.s32 s11, s7  }
.Ltmp1:
0x19: {  	p1 =	slt.u32 s11, $0x2;
	(pc) =	sbr.rel @!p2 .LBB1_6-.Ltmp1, $4  }
0x1a: {  	s15 =	simm.s32 @!p1 $0x2  }
0x1b: {  	s13 =	smov.u32 s10;
	p0 =	por !p0, !p0;
	_ =	swait.ge @!p1 [sflag:s15], $0x2000  }
0x1c: {  	s12 =	smov.u32 s9;
	[sflag:s15] =	ssyncset.done @!p1 $0x0;
	s9 =	smov.u32 s14  }
0x1d: {  	s11 =	sadd.s32 $0x1, s11;
	[sflag:s15] =	ssyncadd.s32 @!p1 $0xFFFFE000;
	s10 =	smov.u32 s16  }
.LBB1_1:
0x1e: {  	p1 =	sge.u32 s11, s5  }
0x1f: {  	s31 =	sadd.s32 $0xFFFFFFFF, s11;
	s14 =	sxor.u32 @!p1 $0xFFFFFFFF, s11  }
0x20: {  	s15 =	sshll.u32 @!p1 s10, $0x9;
	s16 =	sshll.u32 @!p1 s9, $0x4;
	s17 =	simm.s32 @!p1 $0x1000  }
0x21: {  	s14 =	sshll.u32 @!p1 s14, $0xD;
	s16 =	sand.u32 @!p1 $0x1F0, s16;
	s15 =	sadd.s32 @!p1 s6, s15  }
0x22: {  	s14 =	sand.u32 @!p1 $0x2000, s14;
	s15 =	sadd.s32 @!p1 s16, s15;
	s16 =	simm.s32 @!p1 $0x40  }
0x23: {  	[tilespmem:s14], [sflag:$0x1] =	stream.strided.gather @!p1 [hbm4b:s15+s16], $0x2000, s17, s16, $0x38;
	[tilespmem:$0x8080] =	vst v63  }
0x24: {  	p1 =	sge.u32 s31, s5  }
.Ltmp2:
0x25: {  	_ = 	snop;
	(pc) =	sbr.rel @p1 .LBB1_5-.Ltmp2, $1  }
0x26: {  	_ =	sdelay $0x3  }
0x27: {  	s14 =	simm.s32 $0x1  }
0x28: {  	_ =	swait.ge [sflag:s4], $0x2000;
	s14 =	simm.s32 @!p0 $0x0  }
0x29: {  	[sflag:s4] =	ssyncset.done $0x0;
	s15 =	sshll.u32 s14, $0xD  }
0x2a: {  	[sflag:s4] =	ssyncadd.s32 $0xFFFFE000;
	s18 =	sor.u32 $0x20, s15  }
0x2b: {  	s14 =	smul.u32 $0x8100, s14;
	v3 =	vld [tilespmem:s18+$0x10]  }
0x2c: {  	s30 =	sand.u32 $0x1, s11;
	v2 =	vld [tilespmem:s18+$0xFFFFFFF0]  }
0x2d: {  	s15 =	smul.u32 $0x8100, s30;
	s14 =	sshrl.u32 s14, $0x2;
	v0 =	vld [tilespmem:s18+$0x0]  }
0x2e: {  	v1 =	vld [tilespmem:s18+$0xFFFFFFE0];
	s16 =	sor.u32 $0x4000, s14  }
0x2f: {  	s31 =	sshrl.u32 s15, $0x2;
	s15 =	sadd.s32 $0x0, s16  }
0x30: {  	s17 =	simm.s32 $0x4;
	s18 =	sadd.s32 $0x40, s18;
	s14 =	sor.u32 $0x4000, s31;
	[tilespmem:s15+$0x1830 ss:$0x81] =	vst.msk $0xffff, v3  }
.LBB1_3:
0x31: {  	v3 =	vld [tilespmem:s18+$0x10];
	p1 =	sne.s32 s17, $0x1FC;
	[tilespmem:s15+$0x810 ss:$0x81] =	vst.msk $0xffff, v2;
	s19 =	smov.u32 s17;
	s17 =	sadd.s32 $0x4, s17  }
.Ltmp3:
0x32: {  	v2 =	vld [tilespmem:s18+$0xFFFFFFF0];
	[tilespmem:s15+$0x1020 ss:$0x81] =	vst.msk $0xffff, v0;
	(pc) =	sbr.rel @p1 .LBB1_3-.Ltmp3, $4  }
0x33: {  	v0 =	vld [tilespmem:s18+$0x0];
	[tilespmem:s15+$0x0 ss:$0x81] =	vst.msk $0xffff, v1  }
0x34: {  	s15 =	sshra.s32 s19, $0x2;
	v1 =	vld [tilespmem:s18+$0xFFFFFFE0]  }
0x35: {  	s15 =	sadd.s32 s15, s16  }
0x36: {  	s18 =	sadd.s32 $0x40, s18;
	[tilespmem:s15+$0x1830 ss:$0x81] =	vst.msk $0xffff, v3  }
.Ltmp4:
0x37: {  	_ = 	snop;
	(pc) =	sbr.rel .LBB1_4-.Ltmp4, $1  }
0x38: {  	_ =	sdelay $0x3  }
.LBB1_6:
0x39: {  	_ =	sfence.sel $0x180000  }
0x3a: {  	s2 =	simm.s32 $0x1;
	[bflag:$0x0] =	sbarrier.arrive $0xFFFF  }
0x3b: {  	s31 =	simm.s32 $0x2;
	[sflag:s2] =	ssyncpa.u1 $0x1  }
0x3c: {  	[sflag:s31] =	ssyncpa.u1 $0x1  }
0x3d: {  	p0 =	sne.s32 s0, $0x0;
	_ =	strace $0x9000004A  }
0x3e: {  	s0 =	sadd.s32 @!p0 $0x100000, s1;
	[bflag:$0x2] =	sbarrier.arrive $0xFFFF  }
0x3f: {  	[sflag:s0] =	ssyncadd.tile.s32 @!p0 $0x1;
	_ =	shalt  }
.Lfunc_end1:
_tile_overlayer_lowered:
.L_overlay_start_2:
0x40: {  	(tag) =	ssettag $0x2  }
0x41: {  	s0 =	rddreg [dreg:$0x0];
	s2 =	stileid.u32  }
0x42: {  	s1 =	rddreg [dreg:$0x1];
	p0 =	sne.s32 s2, $0x0  }
0x43: {  	s3 =	rddreg [dreg:$0x2];
	[bflag:$0x3] =	sbarrier.arrive $0xFFFF;
	s2 =	simm.s32 @!p0 $0x1C01  }
0x44: {  	[timem:s3], [sflag:s2] =	dma.local @!p0 [hbm:s0], s1  }
0x45: {  	s0 =	simm.s32 @!p0 $0x1  }
0x46: {  	_ =	swait.ge @!p0 [sflag:s0], s1  }
0x47: {  	s1 =	ssub.s32 @!p0 $0x0, s1;
	[sflag:s0] =	ssyncset.done @!p0 $0x0  }
0x48: {  	[sflag:s0] =	ssyncadd.s32 @!p0 s1  }
0x49: {  	[bflag:$0x3] =	sbarrier.arrive $0xFFFF  }
0x4a: {  	_ =	shalt  }

</sc_bundles>
